<compile_context>
chip_gen: v7x
topology: tpu7x:2x2x1
jax: 0.10.2.dev20260603
libtpu: 0.0.44.dev20260713+nightly
codegen_flags: <defaults>
</compile_context>

<pallas_src>
import jax
import jax.numpy as jnp
from jax import lax
from jax.experimental import pallas as pl
from jax.experimental.pallas import tpu as pltpu
from jax.experimental.pallas import tpu_sc as plsc

NS = 16
D = 128
CH = 128


def _k1_body(nodes_r, cols_r, emb, feat_out, deg_out,
             idx_v, gbuf, cbuf, ones_v, dstage, deg_acc, sem):
    c = lax.axis_index("c")
    s = lax.axis_index("s")
    np_ = deg_out.shape[1]
    stripe = np_ // NS
    nseg = stripe // CH
    nch = cbuf.shape[0]

    def zv(i, _):
        dstage[pl.ds(i * 16, 16)] = jnp.zeros((16,), jnp.float32)
        return 0
    lax.fori_loop(0, stripe // 16, zv, 0)
    pltpu.sync_copy(dstage, deg_acc.at[pl.ds(s * stripe, stripe)])

    pltpu.sync_copy(nodes_r.at[c, s], idx_v)

    def gnode(j, _):
        pltpu.async_copy(emb.at[idx_v.at[j]], gbuf, sem).wait()
        pltpu.sync_copy(gbuf, feat_out.at[c, pl.ds(s * stripe + j * CH, CH)])
        return 0
    lax.fori_loop(0, nseg, gnode, 0)

    def ov(i, _):
        ones_v[pl.ds(i * 16, 16)] = jnp.ones((16,), jnp.float32)
        return 0
    lax.fori_loop(0, CH // 16, ov, 0)
    pltpu.sync_copy(cols_r.at[c, s], cbuf)
    plsc.subcore_barrier()

    def dscat(j, _):
        pltpu.sync_copy(ones_v, deg_acc.at[cbuf.at[j]], add=True)
        return 0
    lax.fori_loop(0, nch, dscat, 0)
    plsc.subcore_barrier()

    pltpu.sync_copy(deg_acc.at[pl.ds(s * stripe, stripe)], dstage)
    pltpu.sync_copy(dstage, deg_out.at[c, pl.ds(s * stripe, stripe)])


def _agg_body(s_flat, rows_r, cols_r, t_out,
              ridx, cidx, buf, t_acc, sem):
    c = lax.axis_index("c")
    s = lax.axis_index("s")
    np_ = t_out.shape[1]
    stripe = np_ // NS
    nseg = stripe // CH
    nch = cidx.shape[0]

    def zb(i, _):
        r = i // (D // 16)
        k = (i % (D // 16)) * 16
        buf[r, pl.ds(k, 16)] = jnp.zeros((16,), jnp.float32)
        return 0
    lax.fori_loop(0, CH * (D // 16), zb, 0)

    def zt(k, _):
        pltpu.sync_copy(buf, t_acc.at[pl.ds(s * stripe + k * CH, CH)])
        return 0
    lax.fori_loop(0, nseg, zt, 0)

    pltpu.sync_copy(rows_r.at[c, s], ridx)
    pltpu.sync_copy(cols_r.at[c, s], cidx)
    plsc.subcore_barrier()

    def escat(j, _):
        pltpu.async_copy(s_flat.at[ridx.at[j]], buf, sem).wait()
        pltpu.sync_copy(buf, t_acc.at[cidx.at[j]], add=True)
        return 0
    lax.fori_loop(0, nch, escat, 0)
    plsc.subcore_barrier()

    def tout(k, _):
        pltpu.sync_copy(t_acc.at[pl.ds(s * stripe + k * CH, CH)], buf)
        pltpu.sync_copy(buf, t_out.at[c, pl.ds(s * stripe + k * CH, CH)])
        return 0
    lax.fori_loop(0, nseg, tout, 0)


def _tc_a_body(feat_ref, w_ref, dinv_ref, s_ref):
    h = jnp.dot(feat_ref[0], w_ref[...], preferred_element_type=jnp.float32)
    s_ref[0] = h * dinv_ref[0]


def _tc_b_body(t_ref, s_ref, dinv_ref, w_ref, b_ref, x_ref, s2_ref):
    dinv = dinv_ref[0]
    x = jnp.maximum((t_ref[0] + s_ref[0]) * dinv + b_ref[...], 0.0)
    x_ref[0] = x
    h = jnp.dot(x, w_ref[...], preferred_element_type=jnp.float32)
    s2_ref[0] = h * dinv


def _tc_c_body(t_ref, s_ref, dinv_ref, b_ref, x_ref):
    x_ref[0] = jnp.maximum((t_ref[0] + s_ref[0]) * dinv_ref[0] + b_ref[...],
                           0.0)


def kernel(graph_nodes, graph_edges, edge_types, emb, W1, b1, W2, b2):
    del edge_types
    B, N = graph_nodes.shape
    E = graph_edges.shape[2]
    NP = ((N + NS * CH - 1) // (NS * CH)) * (NS * CH)
    ept = E // NS
    eptp = ((ept + CH - 1) // CH) * CH
    nch = eptp // CH
    nseg = NP // NS // CH
    mesh = plsc.VectorSubcoreMesh(core_axis_name="c", subcore_axis_name="s")

    nodes_p = jnp.pad(graph_nodes, ((0, 0), (0, NP - N)))
    nodes_r = nodes_p.reshape(B, NS, nseg, CH).astype(jnp.int32)

    rows = graph_edges[:, 0, :].astype(jnp.int32).reshape(B, NS, ept)
    cols = graph_edges[:, 1, :].astype(jnp.int32).reshape(B, NS, ept)
    rows = rows + (jnp.arange(B, dtype=jnp.int32) * NP)[:, None, None]
    rows_r = jnp.pad(rows, ((0, 0), (0, 0), (0, eptp - ept))
                     ).reshape(B, NS, nch, CH)
    padc = (N + (jnp.arange(eptp - ept, dtype=jnp.int32) % (NP - N)))
    padc = jnp.broadcast_to(padc, (B, NS, eptp - ept))
    cols_r = jnp.concatenate([cols, padc], axis=2).reshape(B, NS, nch, CH)

    k1 = pl.kernel(
        _k1_body,
        out_type=[jax.ShapeDtypeStruct((B, NP, D), jnp.float32),
                  jax.ShapeDtypeStruct((B, NP), jnp.float32)],
        mesh=mesh,
        scratch_types=[
            pltpu.VMEM((nseg, CH), jnp.int32),
            pltpu.VMEM((CH, D), jnp.float32),
            pltpu.VMEM((nch, CH), jnp.int32),
            pltpu.VMEM((CH,), jnp.float32),
            pltpu.VMEM((NP // NS,), jnp.float32),
            pltpu.VMEM_SHARED((NP,), jnp.float32),
            pltpu.SemaphoreType.DMA,
        ],
    )
    feat, dege = k1(nodes_r, cols_r, emb)

    dinv3 = lax.rsqrt(jnp.maximum(dege + 1.0, 1.0))[:, :, None]

    agg = pl.kernel(
        _agg_body,
        out_type=jax.ShapeDtypeStruct((B, NP, D), jnp.float32),
        mesh=mesh,
        scratch_types=[
            pltpu.VMEM((nch, CH), jnp.int32),
            pltpu.VMEM((nch, CH), jnp.int32),
            pltpu.VMEM((CH, D), jnp.float32),
            pltpu.VMEM_SHARED((NP, D), jnp.float32),
            pltpu.SemaphoreType.DMA,
        ],
    )

    BN = 1024
    grid = (B, NP // BN)
    blk = pl.BlockSpec((1, BN, D), lambda b, i: (b, i, 0))
    blk1 = pl.BlockSpec((1, BN, 1), lambda b, i: (b, i, 0))
    blkw = pl.BlockSpec((D, D), lambda b, i: (0, 0))
    blkb = pl.BlockSpec((1, D), lambda b, i: (0, 0))

    s1 = pl.pallas_call(
        _tc_a_body,
        grid=grid,
        in_specs=[blk, blkw, blk1],
        out_specs=blk,
        out_shape=jax.ShapeDtypeStruct((B, NP, D), jnp.float32),
    )(feat, W1, dinv3)

    t1 = agg(s1.reshape(B * NP, D), rows_r, cols_r)

    x2, s2 = pl.pallas_call(
        _tc_b_body,
        grid=grid,
        in_specs=[blk, blk, blk1, blkw, blkb],
        out_specs=[blk, blk],
        out_shape=[jax.ShapeDtypeStruct((B, NP, D), jnp.float32),
                   jax.ShapeDtypeStruct((B, NP, D), jnp.float32)],
    )(t1, s1, dinv3, W2, b1.reshape(1, D))

    t2 = agg(s2.reshape(B * NP, D), rows_r, cols_r)

    x3 = pl.pallas_call(
        _tc_c_body,
        grid=grid,
        in_specs=[blk, blk, blk1, blkb],
        out_specs=blk,
        out_shape=jax.ShapeDtypeStruct((B, NP, D), jnp.float32),
    )(t2, s2, dinv3, b2.reshape(1, D))

    x2 = x2[:, :N, :].transpose(0, 2, 1)
    x3 = x3[:, :N, :].transpose(0, 2, 1)
    return jnp.stack([x2, x3], axis=1)

# --- scband reference (transcript-rebuilt; emitter-appended) ---
"""Pipeline reference for scband-graph-encoder-49967649521771 (READ-ONLY COPY).

The authoritative reference and input builder live on the scoring server;
editing this copy changes nothing except your own understanding.
"""

import jax, jax.numpy as jnp
import numpy as np


def gcn_conv(x, edge_index, W, b):
    # PyG-style GCNConv: X' = D^{-1/2} (A + I) D^{-1/2} X W + b
    N = x.shape[0]
    h = x @ W
    sl = jnp.arange(N, dtype=edge_index.dtype)
    row = jnp.concatenate([edge_index[0], sl])
    col = jnp.concatenate([edge_index[1], sl])
    deg = jnp.zeros((N,), dtype=h.dtype).at[col].add(1.0)
    dinv = jnp.where(deg > 0, deg ** -0.5, 0.0)
    norm = dinv[row] * dinv[col]
    out = jnp.zeros_like(h).at[col].add(h[row] * norm[:, None])
    return out + b


def setup_inputs(seed: int = 0):
    key = jax.random.key(seed)
    ks = jax.random.split(key, 8)
    B, N, E = 2, 10000, 160000
    vocab, d, f = 50000, 128, 128
    graph_nodes = jax.random.randint(ks[0], (B, N), 0, vocab)
    graph_edges = jax.random.randint(ks[1], (B, 2, E), 0, N)
    edge_types = jax.random.randint(ks[2], (B, E), 0, 16)
    emb = jax.random.uniform(ks[3], (vocab, d), minval=-0.1, maxval=0.1, dtype=jnp.float32)
    W1 = jax.random.normal(ks[4], (d, f), dtype=jnp.float32) * (1.0 / np.sqrt(d))
    b1 = jnp.zeros((f,), dtype=jnp.float32)
    W2 = jax.random.normal(ks[5], (f, f), dtype=jnp.float32) * (1.0 / np.sqrt(f))
    b2 = jnp.zeros((f,), dtype=jnp.float32)
    return {"graph_nodes": graph_nodes, "graph_edges": graph_edges, "edge_types": edge_types,
            "emb": emb, "W1": W1, "b1": b1, "W2": W2, "b2": b2}


def reference(graph_nodes, graph_edges, edge_types, emb, W1, b1, W2, b2):
    B = graph_nodes.shape[0]
    outs = []
    for bi in range(B):
        feat = jnp.take(emb, graph_nodes[bi], axis=0)
        e = graph_edges[bi]
        feats = []
        feat = jax.nn.relu(gcn_conv(feat, e, W1, b1))
        feats.append(feat)
        feat = jax.nn.relu(gcn_conv(feat, e, W2, b2))
        feats.append(feat)
        gf = jnp.stack(feats, axis=0).transpose(0, 2, 1)  # [L, F, N]
        outs.append(gf)
    return jnp.stack(outs, axis=0)  # [B, L, F, N]

if __name__ == "__main__":
    import jax
    _d = setup_inputs()
    print(jax.jit(kernel)(*tuple(_d.values())))

</pallas_src>

<mosaic_0001>
#map = affine_map<(d0, d1) -> (0, 0, 0, 0)>
#map1 = affine_map<(d0, d1) -> (0, 0)>
#map2 = affine_map<(d0, d1) -> (0, 0, 0)>
module attributes {stable_mosaic.version = 14 : i64} {
  func.func @_k1_body(%arg0: i32, %arg1: i32, %arg2: memref<2x16x5x128xi32, #tpu.memory_space<hbm>>, %arg3: memref<2x16x79x128xi32, #tpu.memory_space<hbm>>, %arg4: memref<50000x128xf32, #tpu.memory_space<hbm>>, %arg5: memref<2x10240x128xf32, #tpu.memory_space<hbm>>, %arg6: memref<2x10240xf32, #tpu.memory_space<hbm>>, %arg7: memref<5x128xi32, #tpu.memory_space<vmem>>, %arg8: memref<128x128xf32, #tpu.memory_space<vmem>>, %arg9: memref<79x128xi32, #tpu.memory_space<vmem>>, %arg10: memref<128xf32, #tpu.memory_space<vmem>>, %arg11: memref<640xf32, #tpu.memory_space<vmem>>, %arg12: memref<10240xf32, #tpu.memory_space<vmem_shared>>, %arg13: memref<!tpu.dma_semaphore, #tpu.memory_space<semaphore_mem>>) attributes {dimension_semantics = [#tpu.dimension_semantics<core_parallel>, #tpu.dimension_semantics<subcore_parallel>], iteration_bounds = array<i64: 2, 16>, scalar_prefetch = 0 : i64, scratch_operands = 7 : i64, tpu.core_type = #tpu.core_type<sc_vector_subcore>, window_params = [{transform_indices = #map}, {transform_indices = #map}, {transform_indices = #map1}, {transform_indices = #map2}, {transform_indices = #map1}]} {
    %scan3A = arith.constant 0 : i32
    %scan3A_0 = arith.constant 0 : i32
    %scan3A_1 = arith.constant 40 : i32
    %scan3A_2 = arith.addi %scan3A_0, %scan3A_1 : i32
    %scan3A_3 = arith.constant 1 : i32
    %scan3A_4 = scf.for %scan3A_33 = %scan3A_0 to %scan3A_2 step %scan3A_3 iter_args(%scan3A_34 = %scan3A) -> (i32)  : i32 {
      %broadcast_in_dim3A = arith.constant 0.000000e+00 : f32
      %broadcast_in_dim3A_35 = vector.broadcast %broadcast_in_dim3A : f32 to vector<16xf32>
      %mul3A_36 = arith.constant 16 : i32
      %mul3A_37 = arith.muli %scan3A_33, %mul3A_36 : i32
      %swap3A = arith.index_cast %mul3A_37 : i32 to index
      %swap3A_38 = tpu.vector_load %arg11[%swap3A] {strides = array<i32>} : memref<640xf32, #tpu.memory_space<vmem>>, vector<16xf32>,
      %swap3A_39 = vector.shape_cast %swap3A_38 : vector<16xf32> to vector<16xf32>
      %swap3A_40 = vector.shape_cast %broadcast_in_dim3A_35 : vector<16xf32> to vector<16xf32>
      tpu.vector_store %arg11[%swap3A], %swap3A_40 {strides = array<i32>} : memref<640xf32, #tpu.memory_space<vmem>>, vector<16xf32>,
      %scan3A_41 = arith.constant 0 : i32
      scf.yield %scan3A_41 : i32
    }
    %scan3A_5 = arith.constant 40 : i32
    %mul3A = arith.constant 640 : i32
    %mul3A_6 = arith.muli %arg1, %mul3A : i32
    "tpu.region"() ({
      %run_scoped3A = tpu.sem_alloc : memref<!tpu.dma_semaphore, #tpu.memory_space<semaphore_mem>>
      %dma_start3A = tpu.memref_slice %arg12[%mul3A_6] : memref<10240xf32, #tpu.memory_space<vmem_shared>> -> memref<640xf32, #tpu.memory_space<vmem_shared>>
      %dma_start3A_33 = tpu.memref_slice %arg12[%mul3A_6] : memref<10240xf32, #tpu.memory_space<vmem_shared>> -> memref<640xf32, #tpu.memory_space<vmem_shared>>
      tpu.enqueue_dma source(%arg11 : memref<640xf32, #tpu.memory_space<vmem>>) target(%dma_start3A_33 : memref<640xf32, #tpu.memory_space<vmem_shared>>) target_semaphore(%run_scoped3A : memref<!tpu.dma_semaphore, #tpu.memory_space<semaphore_mem>>)
      %dma_wait3A = tpu.memref_slice %arg12[%mul3A_6] : memref<10240xf32, #tpu.memory_space<vmem_shared>> -> memref<640xf32, #tpu.memory_space<vmem_shared>>
      %dma_wait3A_34 = tpu.memref_slice %arg12[%mul3A_6] : memref<10240xf32, #tpu.memory_space<vmem_shared>> -> memref<640xf32, #tpu.memory_space<vmem_shared>>
      tpu.wait_dma2 semaphore(%run_scoped3A : memref<!tpu.dma_semaphore, #tpu.memory_space<semaphore_mem>>) src(%arg11 : memref<640xf32, #tpu.memory_space<vmem>>) dst(%dma_wait3A_34 : memref<640xf32, #tpu.memory_space<vmem_shared>>)
      tpu.yield
    }) : () -> ()
    "tpu.region"() ({
      %run_scoped3A = tpu.sem_alloc : memref<!tpu.dma_semaphore, #tpu.memory_space<semaphore_mem>>
      %dma_start3A = arith.constant 0 : i32
      %dma_start3A_33 = arith.constant 0 : i32
      %dma_start3A_34 = tpu.memref_slice %arg2[%arg0, %arg1, %dma_start3A, %dma_start3A_33] : memref<2x16x5x128xi32, #tpu.memory_space<hbm>> -> memref<1x1x5x128xi32, #tpu.memory_space<hbm>>
      %dma_start3A_35 = tpu.memref_squeeze %dma_start3A_34 : memref<1x1x5x128xi32, #tpu.memory_space<hbm>> -> memref<5x128xi32, #tpu.memory_space<hbm>>
      %dma_start3A_36 = arith.constant 0 : i32
      %dma_start3A_37 = arith.constant 0 : i32
      %dma_start3A_38 = tpu.memref_slice %arg2[%arg0, %arg1, %dma_start3A_36, %dma_start3A_37] : memref<2x16x5x128xi32, #tpu.memory_space<hbm>> -> memref<1x1x5x128xi32, #tpu.memory_space<hbm>>
      %dma_start3A_39 = tpu.memref_squeeze %dma_start3A_38 : memref<1x1x5x128xi32, #tpu.memory_space<hbm>> -> memref<5x128xi32, #tpu.memory_space<hbm>>
      tpu.enqueue_dma source(%dma_start3A_39 : memref<5x128xi32, #tpu.memory_space<hbm>>) target(%arg7 : memref<5x128xi32, #tpu.memory_space<vmem>>) target_semaphore(%run_scoped3A : memref<!tpu.dma_semaphore, #tpu.memory_space<semaphore_mem>>)
      %dma_wait3A = arith.constant 0 : i32
      %dma_wait3A_40 = arith.constant 0 : i32
      %dma_wait3A_41 = tpu.memref_slice %arg2[%arg0, %arg1, %dma_wait3A, %dma_wait3A_40] : memref<2x16x5x128xi32, #tpu.memory_space<hbm>> -> memref<1x1x5x128xi32, #tpu.memory_space<hbm>>
      %dma_wait3A_42 = tpu.memref_squeeze %dma_wait3A_41 : memref<1x1x5x128xi32, #tpu.memory_space<hbm>> -> memref<5x128xi32, #tpu.memory_space<hbm>>
      %dma_wait3A_43 = arith.constant 0 : i32
      %dma_wait3A_44 = arith.constant 0 : i32
      %dma_wait3A_45 = tpu.memref_slice %arg2[%arg0, %arg1, %dma_wait3A_43, %dma_wait3A_44] : memref<2x16x5x128xi32, #tpu.memory_space<hbm>> -> memref<1x1x5x128xi32, #tpu.memory_space<hbm>>
      %dma_wait3A_46 = tpu.memref_squeeze %dma_wait3A_45 : memref<1x1x5x128xi32, #tpu.memory_space<hbm>> -> memref<5x128xi32, #tpu.memory_space<hbm>>
      tpu.wait_dma2 semaphore(%run_scoped3A : memref<!tpu.dma_semaphore, #tpu.memory_space<semaphore_mem>>) src(%dma_wait3A_46 : memref<5x128xi32, #tpu.memory_space<hbm>>) dst(%arg7 : memref<5x128xi32, #tpu.memory_space<vmem>>)
      tpu.yield
    }) : () -> ()
    %scan3A_7 = arith.constant 0 : i32
    %scan3A_8 = arith.constant 0 : i32
    %scan3A_9 = arith.constant 5 : i32
    %scan3A_10 = arith.addi %scan3A_8, %scan3A_9 : i32
    %scan3A_11 = arith.constant 1 : i32
    %scan3A_12 = scf.for %scan3A_33 = %scan3A_8 to %scan3A_10 step %scan3A_11 iter_args(%scan3A_34 = %scan3A_7) -> (i32)  : i32 {
      %dma_start3A = arith.constant 0 : i32
      %dma_start3A_35 = tpu.memref_slice %arg7[%scan3A_33, %dma_start3A] : memref<5x128xi32, #tpu.memory_space<vmem>> -> memref<1x128xi32, #tpu.memory_space<vmem>>
      %dma_start3A_36 = tpu.memref_squeeze %dma_start3A_35 : memref<1x128xi32, #tpu.memory_space<vmem>> -> memref<128xi32, #tpu.memory_space<vmem>>
      %dma_start3A_37 = arith.constant 0 : i32
      %dma_start3A_38 = arith.constant 0 : i32
      %dma_start3A_39 = tpu.memref_slice %arg4[%dma_start3A_37, %dma_start3A_38] : memref<50000x128xf32, #tpu.memory_space<hbm>> -> memref<50000x128xf32, #tpu.memory_space<hbm>>
      tpu.enqueue_indirect_dma source(%dma_start3A_39 : memref<50000x128xf32, #tpu.memory_space<hbm>>) target(%arg8 : memref<128x128xf32, #tpu.memory_space<vmem>>) offsets(%dma_start3A_36 : memref<128xi32, #tpu.memory_space<vmem>>) semaphore(%arg13 : memref<!tpu.dma_semaphore, #tpu.memory_space<semaphore_mem>>)
      %dma_wait3A = arith.constant 0 : i32
      %dma_wait3A_40 = tpu.memref_slice %arg7[%scan3A_33, %dma_wait3A] : memref<5x128xi32, #tpu.memory_space<vmem>> -> memref<1x128xi32, #tpu.memory_space<vmem>>
      %dma_wait3A_41 = tpu.memref_squeeze %dma_wait3A_40 : memref<1x128xi32, #tpu.memory_space<vmem>> -> memref<128xi32, #tpu.memory_space<vmem>>
      %dma_wait3A_42 = arith.constant 0 : i32
      %dma_wait3A_43 = arith.constant 0 : i32
      %dma_wait3A_44 = tpu.memref_slice %arg4[%dma_wait3A_42, %dma_wait3A_43] : memref<50000x128xf32, #tpu.memory_space<hbm>> -> memref<50000x128xf32, #tpu.memory_space<hbm>>
      tpu.wait_indirect_dma semaphore(%arg13 : memref<!tpu.dma_semaphore, #tpu.memory_space<semaphore_mem>>) src(%dma_wait3A_44 : memref<50000x128xf32, #tpu.memory_space<hbm>>) dst(%arg8 : memref<128x128xf32, #tpu.memory_space<vmem>>)
      %mul3A_45 = arith.constant 640 : i32
      %mul3A_46 = arith.muli %arg1, %mul3A_45 : i32
      %mul3A_47 = arith.constant 128 : i32
      %mul3A_48 = arith.muli %scan3A_33, %mul3A_47 : i32
      %add3A = arith.addi %mul3A_46, %mul3A_48 : i32
      "tpu.region"() ({
        %run_scoped3A = tpu.sem_alloc : memref<!tpu.dma_semaphore, #tpu.memory_space<semaphore_mem>>
        %dma_start3A_50 = arith.constant 0 : i32
        %dma_start3A_51 = tpu.memref_slice %arg5[%arg0, %add3A, %dma_start3A_50] : memref<2x10240x128xf32, #tpu.memory_space<hbm>> -> memref<1x128x128xf32, #tpu.memory_space<hbm>>
        %dma_start3A_52 = tpu.memref_squeeze %dma_start3A_51 : memref<1x128x128xf32, #tpu.memory_space<hbm>> -> memref<128x128xf32, #tpu.memory_space<hbm>>
        %dma_start3A_53 = arith.constant 0 : i32
        %dma_start3A_54 = tpu.memref_slice %arg5[%arg0, %add3A, %dma_start3A_53] : memref<2x10240x128xf32, #tpu.memory_space<hbm>> -> memref<1x128x128xf32, #tpu.memory_space<hbm>>
        %dma_start3A_55 = tpu.memref_squeeze %dma_start3A_54 : memref<1x128x128xf32, #tpu.memory_space<hbm>> -> memref<128x128xf32, #tpu.memory_space<hbm>>
        tpu.enqueue_dma source(%arg8 : memref<128x128xf32, #tpu.memory_space<vmem>>) target(%dma_start3A_55 : memref<128x128xf32, #tpu.memory_space<hbm>>) target_semaphore(%run_scoped3A : memref<!tpu.dma_semaphore, #tpu.memory_space<semaphore_mem>>)
        %dma_wait3A_56 = arith.constant 0 : i32
        %dma_wait3A_57 = tpu.memref_slice %arg5[%arg0, %add3A, %dma_wait3A_56] : memref<2x10240x128xf32, #tpu.memory_space<hbm>> -> memref<1x128x128xf32, #tpu.memory_space<hbm>>
        %dma_wait3A_58 = tpu.memref_squeeze %dma_wait3A_57 : memref<1x128x128xf32, #tpu.memory_space<hbm>> -> memref<128x128xf32, #tpu.memory_space<hbm>>
        %dma_wait3A_59 = arith.constant 0 : i32
        %dma_wait3A_60 = tpu.memref_slice %arg5[%arg0, %add3A, %dma_wait3A_59] : memref<2x10240x128xf32, #tpu.memory_space<hbm>> -> memref<1x128x128xf32, #tpu.memory_space<hbm>>
        %dma_wait3A_61 = tpu.memref_squeeze %dma_wait3A_60 : memref<1x128x128xf32, #tpu.memory_space<hbm>> -> memref<128x128xf32, #tpu.memory_space<hbm>>
        tpu.wait_dma2 semaphore(%run_scoped3A : memref<!tpu.dma_semaphore, #tpu.memory_space<semaphore_mem>>) src(%arg8 : memref<128x128xf32, #tpu.memory_space<vmem>>) dst(%dma_wait3A_61 : memref<128x128xf32, #tpu.memory_space<hbm>>)
        tpu.yield
      }) : () -> ()
      %scan3A_49 = arith.constant 0 : i32
      scf.yield %scan3A_49 : i32
    }
    %scan3A_13 = arith.constant 5 : i32
    %scan3A_14 = arith.constant 0 : i32
    %scan3A_15 = arith.constant 0 : i32
    %scan3A_16 = arith.constant 8 : i32
    %scan3A_17 = arith.addi %scan3A_15, %scan3A_16 : i32
    %scan3A_18 = arith.constant 1 : i32
    %scan3A_19 = scf.for %scan3A_33 = %scan3A_15 to %scan3A_17 step %scan3A_18 iter_args(%scan3A_34 = %scan3A_14) -> (i32)  : i32 {
      %broadcast_in_dim3A = arith.constant 1.000000e+00 : f32
      %broadcast_in_dim3A_35 = vector.broadcast %broadcast_in_dim3A : f32 to vector<16xf32>
      %mul3A_36 = arith.constant 16 : i32
      %mul3A_37 = arith.muli %scan3A_33, %mul3A_36 : i32
      %swap3A = arith.index_cast %mul3A_37 : i32 to index
      %swap3A_38 = tpu.vector_load %arg10[%swap3A] {strides = array<i32>} : memref<128xf32, #tpu.memory_space<vmem>>, vector<16xf32>,
      %swap3A_39 = vector.shape_cast %swap3A_38 : vector<16xf32> to vector<16xf32>
      %swap3A_40 = vector.shape_cast %broadcast_in_dim3A_35 : vector<16xf32> to vector<16xf32>
      tpu.vector_store %arg10[%swap3A], %swap3A_40 {strides = array<i32>} : memref<128xf32, #tpu.memory_space<vmem>>, vector<16xf32>,
      %scan3A_41 = arith.constant 0 : i32
      scf.yield %scan3A_41 : i32
    }
    %scan3A_20 = arith.constant 8 : i32
    "tpu.region"() ({
      %run_scoped3A = tpu.sem_alloc : memref<!tpu.dma_semaphore, #tpu.memory_space<semaphore_mem>>
      %dma_start3A = arith.constant 0 : i32
      %dma_start3A_33 = arith.constant 0 : i32
      %dma_start3A_34 = tpu.memref_slice %arg3[%arg0, %arg1, %dma_start3A, %dma_start3A_33] : memref<2x16x79x128xi32, #tpu.memory_space<hbm>> -> memref<1x1x79x128xi32, #tpu.memory_space<hbm>>
      %dma_start3A_35 = tpu.memref_squeeze %dma_start3A_34 : memref<1x1x79x128xi32, #tpu.memory_space<hbm>> -> memref<79x128xi32, #tpu.memory_space<hbm>>
      %dma_start3A_36 = arith.constant 0 : i32
      %dma_start3A_37 = arith.constant 0 : i32
      %dma_start3A_38 = tpu.memref_slice %arg3[%arg0, %arg1, %dma_start3A_36, %dma_start3A_37] : memref<2x16x79x128xi32, #tpu.memory_space<hbm>> -> memref<1x1x79x128xi32, #tpu.memory_space<hbm>>
      %dma_start3A_39 = tpu.memref_squeeze %dma_start3A_38 : memref<1x1x79x128xi32, #tpu.memory_space<hbm>> -> memref<79x128xi32, #tpu.memory_space<hbm>>
      tpu.enqueue_dma source(%dma_start3A_39 : memref<79x128xi32, #tpu.memory_space<hbm>>) target(%arg9 : memref<79x128xi32, #tpu.memory_space<vmem>>) target_semaphore(%run_scoped3A : memref<!tpu.dma_semaphore, #tpu.memory_space<semaphore_mem>>)
      %dma_wait3A = arith.constant 0 : i32
      %dma_wait3A_40 = arith.constant 0 : i32
      %dma_wait3A_41 = tpu.memref_slice %arg3[%arg0, %arg1, %dma_wait3A, %dma_wait3A_40] : memref<2x16x79x128xi32, #tpu.memory_space<hbm>> -> memref<1x1x79x128xi32, #tpu.memory_space<hbm>>
      %dma_wait3A_42 = tpu.memref_squeeze %dma_wait3A_41 : memref<1x1x79x128xi32, #tpu.memory_space<hbm>> -> memref<79x128xi32, #tpu.memory_space<hbm>>
      %dma_wait3A_43 = arith.constant 0 : i32
      %dma_wait3A_44 = arith.constant 0 : i32
      %dma_wait3A_45 = tpu.memref_slice %arg3[%arg0, %arg1, %dma_wait3A_43, %dma_wait3A_44] : memref<2x16x79x128xi32, #tpu.memory_space<hbm>> -> memref<1x1x79x128xi32, #tpu.memory_space<hbm>>
      %dma_wait3A_46 = tpu.memref_squeeze %dma_wait3A_45 : memref<1x1x79x128xi32, #tpu.memory_space<hbm>> -> memref<79x128xi32, #tpu.memory_space<hbm>>
      tpu.wait_dma2 semaphore(%run_scoped3A : memref<!tpu.dma_semaphore, #tpu.memory_space<semaphore_mem>>) src(%dma_wait3A_46 : memref<79x128xi32, #tpu.memory_space<hbm>>) dst(%arg9 : memref<79x128xi32, #tpu.memory_space<vmem>>)
      tpu.yield
    }) : () -> ()
    %barrier3A = arith.constant 0 : index
    tpu.barrier barrier_id(%barrier3A)
    %scan3A_21 = arith.constant 0 : i32
    %scan3A_22 = arith.constant 0 : i32
    %scan3A_23 = arith.constant 79 : i32
    %scan3A_24 = arith.addi %scan3A_22, %scan3A_23 : i32
    %scan3A_25 = arith.constant 1 : i32
    %scan3A_26 = scf.for %scan3A_33 = %scan3A_22 to %scan3A_24 step %scan3A_25 iter_args(%scan3A_34 = %scan3A_21) -> (i32)  : i32 {
      "tpu.region"() ({
        %run_scoped3A = tpu.sem_alloc : memref<!tpu.dma_semaphore, #tpu.memory_space<semaphore_mem>>
        %dma_start3A = arith.constant 0 : i32
        %dma_start3A_36 = tpu.memref_slice %arg9[%scan3A_33, %dma_start3A] : memref<79x128xi32, #tpu.memory_space<vmem>> -> memref<1x128xi32, #tpu.memory_space<vmem>>
        %dma_start3A_37 = tpu.memref_squeeze %dma_start3A_36 : memref<1x128xi32, #tpu.memory_space<vmem>> -> memref<128xi32, #tpu.memory_space<vmem>>
        %dma_start3A_38 = arith.constant 0 : i32
        %dma_start3A_39 = tpu.memref_slice %arg12[%dma_start3A_38] : memref<10240xf32, #tpu.memory_space<vmem_shared>> -> memref<10240xf32, #tpu.memory_space<vmem_shared>>
        tpu.enqueue_indirect_dma source(%arg10 : memref<128xf32, #tpu.memory_space<vmem>>) target(%dma_start3A_39 : memref<10240xf32, #tpu.memory_space<vmem_shared>>) offsets(%dma_start3A_37 : memref<128xi32, #tpu.memory_space<vmem>>) semaphore(%run_scoped3A : memref<!tpu.dma_semaphore, #tpu.memory_space<semaphore_mem>>) {add = true}
        %dma_wait3A = arith.constant 0 : i32
        %dma_wait3A_40 = tpu.memref_slice %arg9[%scan3A_33, %dma_wait3A] : memref<79x128xi32, #tpu.memory_space<vmem>> -> memref<1x128xi32, #tpu.memory_space<vmem>>
        %dma_wait3A_41 = tpu.memref_squeeze %dma_wait3A_40 : memref<1x128xi32, #tpu.memory_space<vmem>> -> memref<128xi32, #tpu.memory_space<vmem>>
        %dma_wait3A_42 = arith.constant 0 : i32
        %dma_wait3A_43 = tpu.memref_slice %arg12[%dma_wait3A_42] : memref<10240xf32, #tpu.memory_space<vmem_shared>> -> memref<10240xf32, #tpu.memory_space<vmem_shared>>
        tpu.wait_indirect_dma semaphore(%run_scoped3A : memref<!tpu.dma_semaphore, #tpu.memory_space<semaphore_mem>>) src(%arg10 : memref<128xf32, #tpu.memory_space<vmem>>) dst(%dma_wait3A_43 : memref<10240xf32, #tpu.memory_space<vmem_shared>>)
        tpu.yield
      }) : () -> ()
      %scan3A_35 = arith.constant 0 : i32
      scf.yield %scan3A_35 : i32
    }
    %scan3A_27 = arith.constant 79 : i32
    %barrier3A_28 = arith.constant 0 : index
    tpu.barrier barrier_id(%barrier3A_28)
    %mul3A_29 = arith.constant 640 : i32
    %mul3A_30 = arith.muli %arg1, %mul3A_29 : i32
    "tpu.region"() ({
      %run_scoped3A = tpu.sem_alloc : memref<!tpu.dma_semaphore, #tpu.memory_space<semaphore_mem>>
      %dma_start3A = tpu.memref_slice %arg12[%mul3A_30] : memref<10240xf32, #tpu.memory_space<vmem_shared>> -> memref<640xf32, #tpu.memory_space<vmem_shared>>
      %dma_start3A_33 = tpu.memref_slice %arg12[%mul3A_30] : memref<10240xf32, #tpu.memory_space<vmem_shared>> -> memref<640xf32, #tpu.memory_space<vmem_shared>>
      tpu.enqueue_dma source(%dma_start3A_33 : memref<640xf32, #tpu.memory_space<vmem_shared>>) target(%arg11 : memref<640xf32, #tpu.memory_space<vmem>>) target_semaphore(%run_scoped3A : memref<!tpu.dma_semaphore, #tpu.memory_space<semaphore_mem>>)
      %dma_wait3A = tpu.memref_slice %arg12[%mul3A_30] : memref<10240xf32, #tpu.memory_space<vmem_shared>> -> memref<640xf32, #tpu.memory_space<vmem_shared>>
      %dma_wait3A_34 = tpu.memref_slice %arg12[%mul3A_30] : memref<10240xf32, #tpu.memory_space<vmem_shared>> -> memref<640xf32, #tpu.memory_space<vmem_shared>>
      tpu.wait_dma2 semaphore(%run_scoped3A : memref<!tpu.dma_semaphore, #tpu.memory_space<semaphore_mem>>) src(%dma_wait3A_34 : memref<640xf32, #tpu.memory_space<vmem_shared>>) dst(%arg11 : memref<640xf32, #tpu.memory_space<vmem>>)
      tpu.yield
    }) : () -> ()
    %mul3A_31 = arith.constant 640 : i32
    %mul3A_32 = arith.muli %arg1, %mul3A_31 : i32
    "tpu.region"() ({
      %run_scoped3A = tpu.sem_alloc : memref<!tpu.dma_semaphore, #tpu.memory_space<semaphore_mem>>
      %dma_start3A = tpu.memref_slice %arg6[%arg0, %mul3A_32] : memref<2x10240xf32, #tpu.memory_space<hbm>> -> memref<1x640xf32, #tpu.memory_space<hbm>>
      %dma_start3A_33 = tpu.memref_squeeze %dma_start3A : memref<1x640xf32, #tpu.memory_space<hbm>> -> memref<640xf32, #tpu.memory_space<hbm>>
      %dma_start3A_34 = tpu.memref_slice %arg6[%arg0, %mul3A_32] : memref<2x10240xf32, #tpu.memory_space<hbm>> -> memref<1x640xf32, #tpu.memory_space<hbm>>
      %dma_start3A_35 = tpu.memref_squeeze %dma_start3A_34 : memref<1x640xf32, #tpu.memory_space<hbm>> -> memref<640xf32, #tpu.memory_space<hbm>>
      tpu.enqueue_dma source(%arg11 : memref<640xf32, #tpu.memory_space<vmem>>) target(%dma_start3A_35 : memref<640xf32, #tpu.memory_space<hbm>>) target_semaphore(%run_scoped3A : memref<!tpu.dma_semaphore, #tpu.memory_space<semaphore_mem>>)
      %dma_wait3A = tpu.memref_slice %arg6[%arg0, %mul3A_32] : memref<2x10240xf32, #tpu.memory_space<hbm>> -> memref<1x640xf32, #tpu.memory_space<hbm>>
      %dma_wait3A_36 = tpu.memref_squeeze %dma_wait3A : memref<1x640xf32, #tpu.memory_space<hbm>> -> memref<640xf32, #tpu.memory_space<hbm>>
      %dma_wait3A_37 = tpu.memref_slice %arg6[%arg0, %mul3A_32] : memref<2x10240xf32, #tpu.memory_space<hbm>> -> memref<1x640xf32, #tpu.memory_space<hbm>>
      %dma_wait3A_38 = tpu.memref_squeeze %dma_wait3A_37 : memref<1x640xf32, #tpu.memory_space<hbm>> -> memref<640xf32, #tpu.memory_space<hbm>>
      tpu.wait_dma2 semaphore(%run_scoped3A : memref<!tpu.dma_semaphore, #tpu.memory_space<semaphore_mem>>) src(%arg11 : memref<640xf32, #tpu.memory_space<vmem>>) dst(%dma_wait3A_38 : memref<640xf32, #tpu.memory_space<hbm>>)
      tpu.yield
    }) : () -> ()
    return
  }
}

#map = affine_map<(d0, d1) -> (0, 0)>
#map1 = affine_map<(d0, d1) -> (0, 0, 0, 0)>
#map2 = affine_map<(d0, d1) -> (0, 0, 0)>
module attributes {stable_mosaic.version = 14 : i64} {
  func.func @_agg_body(%arg0: i32, %arg1: i32, %arg2: memref<20480x128xf32, #tpu.memory_space<hbm>>, %arg3: memref<2x16x79x128xi32, #tpu.memory_space<hbm>>, %arg4: memref<2x16x79x128xi32, #tpu.memory_space<hbm>>, %arg5: memref<2x10240x128xf32, #tpu.memory_space<hbm>>, %arg6: memref<79x128xi32, #tpu.memory_space<vmem>>, %arg7: memref<79x128xi32, #tpu.memory_space<vmem>>, %arg8: memref<128x128xf32, #tpu.memory_space<vmem>>, %arg9: memref<10240x128xf32, #tpu.memory_space<vmem_shared>>, %arg10: memref<!tpu.dma_semaphore, #tpu.memory_space<semaphore_mem>>) attributes {dimension_semantics = [#tpu.dimension_semantics<core_parallel>, #tpu.dimension_semantics<subcore_parallel>], iteration_bounds = array<i64: 2, 16>, scalar_prefetch = 0 : i64, scratch_operands = 5 : i64, tpu.core_type = #tpu.core_type<sc_vector_subcore>, window_params = [{transform_indices = #map}, {transform_indices = #map1}, {transform_indices = #map1}, {transform_indices = #map2}]} {
    %scan3A = arith.constant 0 : i32
    %scan3A_0 = arith.constant 0 : i32
    %scan3A_1 = arith.constant 1024 : i32
    %scan3A_2 = arith.addi %scan3A_0, %scan3A_1 : i32
    %scan3A_3 = arith.constant 1 : i32
    %scan3A_4 = scf.for %scan3A_28 = %scan3A_0 to %scan3A_2 step %scan3A_3 iter_args(%scan3A_29 = %scan3A) -> (i32)  : i32 {
      %jit3A = arith.constant 8 : i32
      %div3A = arith.divsi %scan3A_28, %jit3A : i32
      %sign3A = arith.constant 0 : i32
      %sign3A_30 = arith.cmpi sgt, %scan3A_28, %sign3A : i32
      %sign3A_31 = arith.extui %sign3A_30 : i1 to i32
      %sign3A_32 = arith.constant 0 : i32
      %sign3A_33 = arith.cmpi slt, %scan3A_28, %sign3A_32 : i32
      %sign3A_34 = arith.extui %sign3A_33 : i1 to i32
      %sign3A_35 = arith.subi %sign3A_31, %sign3A_34 : i32
      %sign3A_36 = arith.constant 0 : i32
      %sign3A_37 = arith.cmpi sgt, %jit3A, %sign3A_36 : i32
      %sign3A_38 = arith.extui %sign3A_37 : i1 to i32
      %sign3A_39 = arith.constant 0 : i32
      %sign3A_40 = arith.cmpi slt, %jit3A, %sign3A_39 : i32
      %sign3A_41 = arith.extui %sign3A_40 : i1 to i32
      %sign3A_42 = arith.subi %sign3A_38, %sign3A_41 : i32
      %ne3A = arith.cmpi ne, %sign3A_35, %sign3A_42 : i32
      %rem3A = arith.remsi %scan3A_28, %jit3A : i32
      %ne3A_43 = arith.constant 0 : i32
      %ne3A_44 = arith.cmpi ne, %rem3A, %ne3A_43 : i32
      %and3A = arith.andi %ne3A, %ne3A_44 : i1
      %sub3A = arith.constant 1 : i32
      %sub3A_45 = arith.subi %div3A, %sub3A : i32
      %select_n3A = arith.select %and3A, %sub3A_45, %div3A : i32
      %jit3A_46 = arith.constant 8 : i32
      %eq3A = arith.constant 0 : i32
      %eq3A_47 = arith.cmpi eq, %jit3A_46, %eq3A : i32
      %jit3A_48 = arith.constant 1 : i32
      %select_n3A_49 = arith.select %eq3A_47, %jit3A_48, %jit3A_46 : i32
      %rem3A_50 = arith.remsi %scan3A_28, %select_n3A_49 : i32
      %ne3A_51 = arith.constant 0 : i32
      %ne3A_52 = arith.cmpi ne, %rem3A_50, %ne3A_51 : i32
      %lt3A = arith.constant 0 : i32
      %lt3A_53 = arith.cmpi slt, %rem3A_50, %lt3A : i32
      %lt3A_54 = arith.constant 0 : i32
      %lt3A_55 = arith.cmpi slt, %select_n3A_49, %lt3A_54 : i32
      %ne3A_56 = arith.xori %lt3A_53, %lt3A_55 : i1
      %and3A_57 = arith.andi %ne3A_56, %ne3A_52 : i1
      %add3A = arith.addi %rem3A_50, %select_n3A_49 : i32
      %select_n3A_58 = arith.select %and3A_57, %add3A, %rem3A_50 : i32
      %mul3A = arith.constant 16 : i32
      %mul3A_59 = arith.muli %select_n3A_58, %mul3A : i32
      %broadcast_in_dim3A = arith.constant 0.000000e+00 : f32
      %broadcast_in_dim3A_60 = vector.broadcast %broadcast_in_dim3A : f32 to vector<16xf32>
      %swap3A = arith.index_cast %select_n3A : i32 to index
      %swap3A_61 = arith.index_cast %mul3A_59 : i32 to index
      %swap3A_62 = tpu.vector_load %arg8[%swap3A, %swap3A_61] {strides = array<i32>} : memref<128x128xf32, #tpu.memory_space<vmem>>, vector<1x16xf32>,
      %swap3A_63 = vector.shape_cast %swap3A_62 : vector<1x16xf32> to vector<16xf32>
      %swap3A_64 = vector.shape_cast %broadcast_in_dim3A_60 : vector<16xf32> to vector<1x16xf32>
      tpu.vector_store %arg8[%swap3A, %swap3A_61], %swap3A_64 {strides = array<i32>} : memref<128x128xf32, #tpu.memory_space<vmem>>, vector<1x16xf32>,
      %scan3A_65 = arith.constant 0 : i32
      scf.yield %scan3A_65 : i32
    }
    %scan3A_5 = arith.constant 1024 : i32
    %scan3A_6 = arith.constant 0 : i32
    %scan3A_7 = arith.constant 0 : i32
    %scan3A_8 = arith.constant 5 : i32
    %scan3A_9 = arith.addi %scan3A_7, %scan3A_8 : i32
    %scan3A_10 = arith.constant 1 : i32
    %scan3A_11 = scf.for %scan3A_28 = %scan3A_7 to %scan3A_9 step %scan3A_10 iter_args(%scan3A_29 = %scan3A_6) -> (i32)  : i32 {
      %mul3A = arith.constant 640 : i32
      %mul3A_30 = arith.muli %arg1, %mul3A : i32
      %mul3A_31 = arith.constant 128 : i32
      %mul3A_32 = arith.muli %scan3A_28, %mul3A_31 : i32
      %add3A = arith.addi %mul3A_30, %mul3A_32 : i32
      "tpu.region"() ({
        %run_scoped3A = tpu.sem_alloc : memref<!tpu.dma_semaphore, #tpu.memory_space<semaphore_mem>>
        %dma_start3A = arith.constant 0 : i32
        %dma_start3A_34 = tpu.memref_slice %arg9[%add3A, %dma_start3A] : memref<10240x128xf32, #tpu.memory_space<vmem_shared>> -> memref<128x128xf32, #tpu.memory_space<vmem_shared>>
        %dma_start3A_35 = arith.constant 0 : i32
        %dma_start3A_36 = tpu.memref_slice %arg9[%add3A, %dma_start3A_35] : memref<10240x128xf32, #tpu.memory_space<vmem_shared>> -> memref<128x128xf32, #tpu.memory_space<vmem_shared>>
        tpu.enqueue_dma source(%arg8 : memref<128x128xf32, #tpu.memory_space<vmem>>) target(%dma_start3A_36 : memref<128x128xf32, #tpu.memory_space<vmem_shared>>) target_semaphore(%run_scoped3A : memref<!tpu.dma_semaphore, #tpu.memory_space<semaphore_mem>>)
        %dma_wait3A = arith.constant 0 : i32
        %dma_wait3A_37 = tpu.memref_slice %arg9[%add3A, %dma_wait3A] : memref<10240x128xf32, #tpu.memory_space<vmem_shared>> -> memref<128x128xf32, #tpu.memory_space<vmem_shared>>
        %dma_wait3A_38 = arith.constant 0 : i32
        %dma_wait3A_39 = tpu.memref_slice %arg9[%add3A, %dma_wait3A_38] : memref<10240x128xf32, #tpu.memory_space<vmem_shared>> -> memref<128x128xf32, #tpu.memory_space<vmem_shared>>
        tpu.wait_dma2 semaphore(%run_scoped3A : memref<!tpu.dma_semaphore, #tpu.memory_space<semaphore_mem>>) src(%arg8 : memref<128x128xf32, #tpu.memory_space<vmem>>) dst(%dma_wait3A_39 : memref<128x128xf32, #tpu.memory_space<vmem_shared>>)
        tpu.yield
      }) : () -> ()
      %scan3A_33 = arith.constant 0 : i32
      scf.yield %scan3A_33 : i32
    }
    %scan3A_12 = arith.constant 5 : i32
    "tpu.region"() ({
      %run_scoped3A = tpu.sem_alloc : memref<!tpu.dma_semaphore, #tpu.memory_space<semaphore_mem>>
      %dma_start3A = arith.constant 0 : i32
      %dma_start3A_28 = arith.constant 0 : i32
      %dma_start3A_29 = tpu.memref_slice %arg3[%arg0, %arg1, %dma_start3A, %dma_start3A_28] : memref<2x16x79x128xi32, #tpu.memory_space<hbm>> -> memref<1x1x79x128xi32, #tpu.memory_space<hbm>>
      %dma_start3A_30 = tpu.memref_squeeze %dma_start3A_29 : memref<1x1x79x128xi32, #tpu.memory_space<hbm>> -> memref<79x128xi32, #tpu.memory_space<hbm>>
      %dma_start3A_31 = arith.constant 0 : i32
      %dma_start3A_32 = arith.constant 0 : i32
      %dma_start3A_33 = tpu.memref_slice %arg3[%arg0, %arg1, %dma_start3A_31, %dma_start3A_32] : memref<2x16x79x128xi32, #tpu.memory_space<hbm>> -> memref<1x1x79x128xi32, #tpu.memory_space<hbm>>
      %dma_start3A_34 = tpu.memref_squeeze %dma_start3A_33 : memref<1x1x79x128xi32, #tpu.memory_space<hbm>> -> memref<79x128xi32, #tpu.memory_space<hbm>>
      tpu.enqueue_dma source(%dma_start3A_34 : memref<79x128xi32, #tpu.memory_space<hbm>>) target(%arg6 : memref<79x128xi32, #tpu.memory_space<vmem>>) target_semaphore(%run_scoped3A : memref<!tpu.dma_semaphore, #tpu.memory_space<semaphore_mem>>)
      %dma_wait3A = arith.constant 0 : i32
      %dma_wait3A_35 = arith.constant 0 : i32
      %dma_wait3A_36 = tpu.memref_slice %arg3[%arg0, %arg1, %dma_wait3A, %dma_wait3A_35] : memref<2x16x79x128xi32, #tpu.memory_space<hbm>> -> memref<1x1x79x128xi32, #tpu.memory_space<hbm>>
      %dma_wait3A_37 = tpu.memref_squeeze %dma_wait3A_36 : memref<1x1x79x128xi32, #tpu.memory_space<hbm>> -> memref<79x128xi32, #tpu.memory_space<hbm>>
      %dma_wait3A_38 = arith.constant 0 : i32
      %dma_wait3A_39 = arith.constant 0 : i32
      %dma_wait3A_40 = tpu.memref_slice %arg3[%arg0, %arg1, %dma_wait3A_38, %dma_wait3A_39] : memref<2x16x79x128xi32, #tpu.memory_space<hbm>> -> memref<1x1x79x128xi32, #tpu.memory_space<hbm>>
      %dma_wait3A_41 = tpu.memref_squeeze %dma_wait3A_40 : memref<1x1x79x128xi32, #tpu.memory_space<hbm>> -> memref<79x128xi32, #tpu.memory_space<hbm>>
      tpu.wait_dma2 semaphore(%run_scoped3A : memref<!tpu.dma_semaphore, #tpu.memory_space<semaphore_mem>>) src(%dma_wait3A_41 : memref<79x128xi32, #tpu.memory_space<hbm>>) dst(%arg6 : memref<79x128xi32, #tpu.memory_space<vmem>>)
      tpu.yield
    }) : () -> ()
    "tpu.region"() ({
      %run_scoped3A = tpu.sem_alloc : memref<!tpu.dma_semaphore, #tpu.memory_space<semaphore_mem>>
      %dma_start3A = arith.constant 0 : i32
      %dma_start3A_28 = arith.constant 0 : i32
      %dma_start3A_29 = tpu.memref_slice %arg4[%arg0, %arg1, %dma_start3A, %dma_start3A_28] : memref<2x16x79x128xi32, #tpu.memory_space<hbm>> -> memref<1x1x79x128xi32, #tpu.memory_space<hbm>>
      %dma_start3A_30 = tpu.memref_squeeze %dma_start3A_29 : memref<1x1x79x128xi32, #tpu.memory_space<hbm>> -> memref<79x128xi32, #tpu.memory_space<hbm>>
      %dma_start3A_31 = arith.constant 0 : i32
      %dma_start3A_32 = arith.constant 0 : i32
      %dma_start3A_33 = tpu.memref_slice %arg4[%arg0, %arg1, %dma_start3A_31, %dma_start3A_32] : memref<2x16x79x128xi32, #tpu.memory_space<hbm>> -> memref<1x1x79x128xi32, #tpu.memory_space<hbm>>
      %dma_start3A_34 = tpu.memref_squeeze %dma_start3A_33 : memref<1x1x79x128xi32, #tpu.memory_space<hbm>> -> memref<79x128xi32, #tpu.memory_space<hbm>>
      tpu.enqueue_dma source(%dma_start3A_34 : memref<79x128xi32, #tpu.memory_space<hbm>>) target(%arg7 : memref<79x128xi32, #tpu.memory_space<vmem>>) target_semaphore(%run_scoped3A : memref<!tpu.dma_semaphore, #tpu.memory_space<semaphore_mem>>)
      %dma_wait3A = arith.constant 0 : i32
      %dma_wait3A_35 = arith.constant 0 : i32
      %dma_wait3A_36 = tpu.memref_slice %arg4[%arg0, %arg1, %dma_wait3A, %dma_wait3A_35] : memref<2x16x79x128xi32, #tpu.memory_space<hbm>> -> memref<1x1x79x128xi32, #tpu.memory_space<hbm>>
      %dma_wait3A_37 = tpu.memref_squeeze %dma_wait3A_36 : memref<1x1x79x128xi32, #tpu.memory_space<hbm>> -> memref<79x128xi32, #tpu.memory_space<hbm>>
      %dma_wait3A_38 = arith.constant 0 : i32
      %dma_wait3A_39 = arith.constant 0 : i32
      %dma_wait3A_40 = tpu.memref_slice %arg4[%arg0, %arg1, %dma_wait3A_38, %dma_wait3A_39] : memref<2x16x79x128xi32, #tpu.memory_space<hbm>> -> memref<1x1x79x128xi32, #tpu.memory_space<hbm>>
      %dma_wait3A_41 = tpu.memref_squeeze %dma_wait3A_40 : memref<1x1x79x128xi32, #tpu.memory_space<hbm>> -> memref<79x128xi32, #tpu.memory_space<hbm>>
      tpu.wait_dma2 semaphore(%run_scoped3A : memref<!tpu.dma_semaphore, #tpu.memory_space<semaphore_mem>>) src(%dma_wait3A_41 : memref<79x128xi32, #tpu.memory_space<hbm>>) dst(%arg7 : memref<79x128xi32, #tpu.memory_space<vmem>>)
      tpu.yield
    }) : () -> ()
    %barrier3A = arith.constant 0 : index
    tpu.barrier barrier_id(%barrier3A)
    %scan3A_13 = arith.constant 0 : i32
    %scan3A_14 = arith.constant 0 : i32
    %scan3A_15 = arith.constant 79 : i32
    %scan3A_16 = arith.addi %scan3A_14, %scan3A_15 : i32
    %scan3A_17 = arith.constant 1 : i32
    %scan3A_18 = scf.for %scan3A_28 = %scan3A_14 to %scan3A_16 step %scan3A_17 iter_args(%scan3A_29 = %scan3A_13) -> (i32)  : i32 {
      %dma_start3A = arith.constant 0 : i32
      %dma_start3A_30 = tpu.memref_slice %arg6[%scan3A_28, %dma_start3A] : memref<79x128xi32, #tpu.memory_space<vmem>> -> memref<1x128xi32, #tpu.memory_space<vmem>>
      %dma_start3A_31 = tpu.memref_squeeze %dma_start3A_30 : memref<1x128xi32, #tpu.memory_space<vmem>> -> memref<128xi32, #tpu.memory_space<vmem>>
      %dma_start3A_32 = arith.constant 0 : i32
      %dma_start3A_33 = arith.constant 0 : i32
      %dma_start3A_34 = tpu.memref_slice %arg2[%dma_start3A_32, %dma_start3A_33] : memref<20480x128xf32, #tpu.memory_space<hbm>> -> memref<20480x128xf32, #tpu.memory_space<hbm>>
      tpu.enqueue_indirect_dma source(%dma_start3A_34 : memref<20480x128xf32, #tpu.memory_space<hbm>>) target(%arg8 : memref<128x128xf32, #tpu.memory_space<vmem>>) offsets(%dma_start3A_31 : memref<128xi32, #tpu.memory_space<vmem>>) semaphore(%arg10 : memref<!tpu.dma_semaphore, #tpu.memory_space<semaphore_mem>>)
      %dma_wait3A = arith.constant 0 : i32
      %dma_wait3A_35 = tpu.memref_slice %arg6[%scan3A_28, %dma_wait3A] : memref<79x128xi32, #tpu.memory_space<vmem>> -> memref<1x128xi32, #tpu.memory_space<vmem>>
      %dma_wait3A_36 = tpu.memref_squeeze %dma_wait3A_35 : memref<1x128xi32, #tpu.memory_space<vmem>> -> memref<128xi32, #tpu.memory_space<vmem>>
      %dma_wait3A_37 = arith.constant 0 : i32
      %dma_wait3A_38 = arith.constant 0 : i32
      %dma_wait3A_39 = tpu.memref_slice %arg2[%dma_wait3A_37, %dma_wait3A_38] : memref<20480x128xf32, #tpu.memory_space<hbm>> -> memref<20480x128xf32, #tpu.memory_space<hbm>>
      tpu.wait_indirect_dma semaphore(%arg10 : memref<!tpu.dma_semaphore, #tpu.memory_space<semaphore_mem>>) src(%dma_wait3A_39 : memref<20480x128xf32, #tpu.memory_space<hbm>>) dst(%arg8 : memref<128x128xf32, #tpu.memory_space<vmem>>)
      "tpu.region"() ({
        %run_scoped3A = tpu.sem_alloc : memref<!tpu.dma_semaphore, #tpu.memory_space<semaphore_mem>>
        %dma_start3A_41 = arith.constant 0 : i32
        %dma_start3A_42 = tpu.memref_slice %arg7[%scan3A_28, %dma_start3A_41] : memref<79x128xi32, #tpu.memory_space<vmem>> -> memref<1x128xi32, #tpu.memory_space<vmem>>
        %dma_start3A_43 = tpu.memref_squeeze %dma_start3A_42 : memref<1x128xi32, #tpu.memory_space<vmem>> -> memref<128xi32, #tpu.memory_space<vmem>>
        %dma_start3A_44 = arith.constant 0 : i32
        %dma_start3A_45 = arith.constant 0 : i32
        %dma_start3A_46 = tpu.memref_slice %arg9[%dma_start3A_44, %dma_start3A_45] : memref<10240x128xf32, #tpu.memory_space<vmem_shared>> -> memref<10240x128xf32, #tpu.memory_space<vmem_shared>>
        tpu.enqueue_indirect_dma source(%arg8 : memref<128x128xf32, #tpu.memory_space<vmem>>) target(%dma_start3A_46 : memref<10240x128xf32, #tpu.memory_space<vmem_shared>>) offsets(%dma_start3A_43 : memref<128xi32, #tpu.memory_space<vmem>>) semaphore(%run_scoped3A : memref<!tpu.dma_semaphore, #tpu.memory_space<semaphore_mem>>) {add = true}
        %dma_wait3A_47 = arith.constant 0 : i32
        %dma_wait3A_48 = tpu.memref_slice %arg7[%scan3A_28, %dma_wait3A_47] : memref<79x128xi32, #tpu.memory_space<vmem>> -> memref<1x128xi32, #tpu.memory_space<vmem>>
        %dma_wait3A_49 = tpu.memref_squeeze %dma_wait3A_48 : memref<1x128xi32, #tpu.memory_space<vmem>> -> memref<128xi32, #tpu.memory_space<vmem>>
        %dma_wait3A_50 = arith.constant 0 : i32
        %dma_wait3A_51 = arith.constant 0 : i32
        %dma_wait3A_52 = tpu.memref_slice %arg9[%dma_wait3A_50, %dma_wait3A_51] : memref<10240x128xf32, #tpu.memory_space<vmem_shared>> -> memref<10240x128xf32, #tpu.memory_space<vmem_shared>>
        tpu.wait_indirect_dma semaphore(%run_scoped3A : memref<!tpu.dma_semaphore, #tpu.memory_space<semaphore_mem>>) src(%arg8 : memref<128x128xf32, #tpu.memory_space<vmem>>) dst(%dma_wait3A_52 : memref<10240x128xf32, #tpu.memory_space<vmem_shared>>)
        tpu.yield
      }) : () -> ()
      %scan3A_40 = arith.constant 0 : i32
      scf.yield %scan3A_40 : i32
    }
    %scan3A_19 = arith.constant 79 : i32
    %barrier3A_20 = arith.constant 0 : index
    tpu.barrier barrier_id(%barrier3A_20)
    %scan3A_21 = arith.constant 0 : i32
    %scan3A_22 = arith.constant 0 : i32
    %scan3A_23 = arith.constant 5 : i32
    %scan3A_24 = arith.addi %scan3A_22, %scan3A_23 : i32
    %scan3A_25 = arith.constant 1 : i32
    %scan3A_26 = scf.for %scan3A_28 = %scan3A_22 to %scan3A_24 step %scan3A_25 iter_args(%scan3A_29 = %scan3A_21) -> (i32)  : i32 {
      %mul3A = arith.constant 640 : i32
      %mul3A_30 = arith.muli %arg1, %mul3A : i32
      %mul3A_31 = arith.constant 128 : i32
      %mul3A_32 = arith.muli %scan3A_28, %mul3A_31 : i32
      %add3A = arith.addi %mul3A_30, %mul3A_32 : i32
      "tpu.region"() ({
        %run_scoped3A = tpu.sem_alloc : memref<!tpu.dma_semaphore, #tpu.memory_space<semaphore_mem>>
        %dma_start3A = arith.constant 0 : i32
        %dma_start3A_39 = tpu.memref_slice %arg9[%add3A, %dma_start3A] : memref<10240x128xf32, #tpu.memory_space<vmem_shared>> -> memref<128x128xf32, #tpu.memory_space<vmem_shared>>
        %dma_start3A_40 = arith.constant 0 : i32
        %dma_start3A_41 = tpu.memref_slice %arg9[%add3A, %dma_start3A_40] : memref<10240x128xf32, #tpu.memory_space<vmem_shared>> -> memref<128x128xf32, #tpu.memory_space<vmem_shared>>
        tpu.enqueue_dma source(%dma_start3A_41 : memref<128x128xf32, #tpu.memory_space<vmem_shared>>) target(%arg8 : memref<128x128xf32, #tpu.memory_space<vmem>>) target_semaphore(%run_scoped3A : memref<!tpu.dma_semaphore, #tpu.memory_space<semaphore_mem>>)
        %dma_wait3A = arith.constant 0 : i32
        %dma_wait3A_42 = tpu.memref_slice %arg9[%add3A, %dma_wait3A] : memref<10240x128xf32, #tpu.memory_space<vmem_shared>> -> memref<128x128xf32, #tpu.memory_space<vmem_shared>>
        %dma_wait3A_43 = arith.constant 0 : i32
        %dma_wait3A_44 = tpu.memref_slice %arg9[%add3A, %dma_wait3A_43] : memref<10240x128xf32, #tpu.memory_space<vmem_shared>> -> memref<128x128xf32, #tpu.memory_space<vmem_shared>>
        tpu.wait_dma2 semaphore(%run_scoped3A : memref<!tpu.dma_semaphore, #tpu.memory_space<semaphore_mem>>) src(%dma_wait3A_44 : memref<128x128xf32, #tpu.memory_space<vmem_shared>>) dst(%arg8 : memref<128x128xf32, #tpu.memory_space<vmem>>)
        tpu.yield
      }) : () -> ()
      %mul3A_33 = arith.constant 640 : i32
      %mul3A_34 = arith.muli %arg1, %mul3A_33 : i32
      %mul3A_35 = arith.constant 128 : i32
      %mul3A_36 = arith.muli %scan3A_28, %mul3A_35 : i32
      %add3A_37 = arith.addi %mul3A_34, %mul3A_36 : i32
      "tpu.region"() ({
        %run_scoped3A = tpu.sem_alloc : memref<!tpu.dma_semaphore, #tpu.memory_space<semaphore_mem>>
        %dma_start3A = arith.constant 0 : i32
        %dma_start3A_39 = tpu.memref_slice %arg5[%arg0, %add3A_37, %dma_start3A] : memref<2x10240x128xf32, #tpu.memory_space<hbm>> -> memref<1x128x128xf32, #tpu.memory_space<hbm>>
        %dma_start3A_40 = tpu.memref_squeeze %dma_start3A_39 : memref<1x128x128xf32, #tpu.memory_space<hbm>> -> memref<128x128xf32, #tpu.memory_space<hbm>>
        %dma_start3A_41 = arith.constant 0 : i32
        %dma_start3A_42 = tpu.memref_slice %arg5[%arg0, %add3A_37, %dma_start3A_41] : memref<2x10240x128xf32, #tpu.memory_space<hbm>> -> memref<1x128x128xf32, #tpu.memory_space<hbm>>
        %dma_start3A_43 = tpu.memref_squeeze %dma_start3A_42 : memref<1x128x128xf32, #tpu.memory_space<hbm>> -> memref<128x128xf32, #tpu.memory_space<hbm>>
        tpu.enqueue_dma source(%arg8 : memref<128x128xf32, #tpu.memory_space<vmem>>) target(%dma_start3A_43 : memref<128x128xf32, #tpu.memory_space<hbm>>) target_semaphore(%run_scoped3A : memref<!tpu.dma_semaphore, #tpu.memory_space<semaphore_mem>>)
        %dma_wait3A = arith.constant 0 : i32
        %dma_wait3A_44 = tpu.memref_slice %arg5[%arg0, %add3A_37, %dma_wait3A] : memref<2x10240x128xf32, #tpu.memory_space<hbm>> -> memref<1x128x128xf32, #tpu.memory_space<hbm>>
        %dma_wait3A_45 = tpu.memref_squeeze %dma_wait3A_44 : memref<1x128x128xf32, #tpu.memory_space<hbm>> -> memref<128x128xf32, #tpu.memory_space<hbm>>
        %dma_wait3A_46 = arith.constant 0 : i32
        %dma_wait3A_47 = tpu.memref_slice %arg5[%arg0, %add3A_37, %dma_wait3A_46] : memref<2x10240x128xf32, #tpu.memory_space<hbm>> -> memref<1x128x128xf32, #tpu.memory_space<hbm>>
        %dma_wait3A_48 = tpu.memref_squeeze %dma_wait3A_47 : memref<1x128x128xf32, #tpu.memory_space<hbm>> -> memref<128x128xf32, #tpu.memory_space<hbm>>
        tpu.wait_dma2 semaphore(%run_scoped3A : memref<!tpu.dma_semaphore, #tpu.memory_space<semaphore_mem>>) src(%arg8 : memref<128x128xf32, #tpu.memory_space<vmem>>) dst(%dma_wait3A_48 : memref<128x128xf32, #tpu.memory_space<hbm>>)
        tpu.yield
      }) : () -> ()
      %scan3A_38 = arith.constant 0 : i32
      scf.yield %scan3A_38 : i32
    }
    %scan3A_27 = arith.constant 5 : i32
    return
  }
}

#map = affine_map<(d0, d1) -> (0, 0)>
#map1 = affine_map<(d0, d1) -> (0, 0, 0, 0)>
#map2 = affine_map<(d0, d1) -> (0, 0, 0)>
module attributes {stable_mosaic.version = 14 : i64} {
  func.func @_agg_body(%arg0: i32, %arg1: i32, %arg2: memref<20480x128xf32, #tpu.memory_space<hbm>>, %arg3: memref<2x16x79x128xi32, #tpu.memory_space<hbm>>, %arg4: memref<2x16x79x128xi32, #tpu.memory_space<hbm>>, %arg5: memref<2x10240x128xf32, #tpu.memory_space<hbm>>, %arg6: memref<79x128xi32, #tpu.memory_space<vmem>>, %arg7: memref<79x128xi32, #tpu.memory_space<vmem>>, %arg8: memref<128x128xf32, #tpu.memory_space<vmem>>, %arg9: memref<10240x128xf32, #tpu.memory_space<vmem_shared>>, %arg10: memref<!tpu.dma_semaphore, #tpu.memory_space<semaphore_mem>>) attributes {dimension_semantics = [#tpu.dimension_semantics<core_parallel>, #tpu.dimension_semantics<subcore_parallel>], iteration_bounds = array<i64: 2, 16>, scalar_prefetch = 0 : i64, scratch_operands = 5 : i64, tpu.core_type = #tpu.core_type<sc_vector_subcore>, window_params = [{transform_indices = #map}, {transform_indices = #map1}, {transform_indices = #map1}, {transform_indices = #map2}]} {
    %scan3A = arith.constant 0 : i32
    %scan3A_0 = arith.constant 0 : i32
    %scan3A_1 = arith.constant 1024 : i32
    %scan3A_2 = arith.addi %scan3A_0, %scan3A_1 : i32
    %scan3A_3 = arith.constant 1 : i32
    %scan3A_4 = scf.for %scan3A_28 = %scan3A_0 to %scan3A_2 step %scan3A_3 iter_args(%scan3A_29 = %scan3A) -> (i32)  : i32 {
      %jit3A = arith.constant 8 : i32
      %div3A = arith.divsi %scan3A_28, %jit3A : i32
      %sign3A = arith.constant 0 : i32
      %sign3A_30 = arith.cmpi sgt, %scan3A_28, %sign3A : i32
      %sign3A_31 = arith.extui %sign3A_30 : i1 to i32
      %sign3A_32 = arith.constant 0 : i32
      %sign3A_33 = arith.cmpi slt, %scan3A_28, %sign3A_32 : i32
      %sign3A_34 = arith.extui %sign3A_33 : i1 to i32
      %sign3A_35 = arith.subi %sign3A_31, %sign3A_34 : i32
      %sign3A_36 = arith.constant 0 : i32
      %sign3A_37 = arith.cmpi sgt, %jit3A, %sign3A_36 : i32
      %sign3A_38 = arith.extui %sign3A_37 : i1 to i32
      %sign3A_39 = arith.constant 0 : i32
      %sign3A_40 = arith.cmpi slt, %jit3A, %sign3A_39 : i32
      %sign3A_41 = arith.extui %sign3A_40 : i1 to i32
      %sign3A_42 = arith.subi %sign3A_38, %sign3A_41 : i32
      %ne3A = arith.cmpi ne, %sign3A_35, %sign3A_42 : i32
      %rem3A = arith.remsi %scan3A_28, %jit3A : i32
      %ne3A_43 = arith.constant 0 : i32
      %ne3A_44 = arith.cmpi ne, %rem3A, %ne3A_43 : i32
      %and3A = arith.andi %ne3A, %ne3A_44 : i1
      %sub3A = arith.constant 1 : i32
      %sub3A_45 = arith.subi %div3A, %sub3A : i32
      %select_n3A = arith.select %and3A, %sub3A_45, %div3A : i32
      %jit3A_46 = arith.constant 8 : i32
      %eq3A = arith.constant 0 : i32
      %eq3A_47 = arith.cmpi eq, %jit3A_46, %eq3A : i32
      %jit3A_48 = arith.constant 1 : i32
      %select_n3A_49 = arith.select %eq3A_47, %jit3A_48, %jit3A_46 : i32
      %rem3A_50 = arith.remsi %scan3A_28, %select_n3A_49 : i32
      %ne3A_51 = arith.constant 0 : i32
      %ne3A_52 = arith.cmpi ne, %rem3A_50, %ne3A_51 : i32
      %lt3A = arith.constant 0 : i32
      %lt3A_53 = arith.cmpi slt, %rem3A_50, %lt3A : i32
      %lt3A_54 = arith.constant 0 : i32
      %lt3A_55 = arith.cmpi slt, %select_n3A_49, %lt3A_54 : i32
      %ne3A_56 = arith.xori %lt3A_53, %lt3A_55 : i1
      %and3A_57 = arith.andi %ne3A_56, %ne3A_52 : i1
      %add3A = arith.addi %rem3A_50, %select_n3A_49 : i32
      %select_n3A_58 = arith.select %and3A_57, %add3A, %rem3A_50 : i32
      %mul3A = arith.constant 16 : i32
      %mul3A_59 = arith.muli %select_n3A_58, %mul3A : i32
      %broadcast_in_dim3A = arith.constant 0.000000e+00 : f32
      %broadcast_in_dim3A_60 = vector.broadcast %broadcast_in_dim3A : f32 to vector<16xf32>
      %swap3A = arith.index_cast %select_n3A : i32 to index
      %swap3A_61 = arith.index_cast %mul3A_59 : i32 to index
      %swap3A_62 = tpu.vector_load %arg8[%swap3A, %swap3A_61] {strides = array<i32>} : memref<128x128xf32, #tpu.memory_space<vmem>>, vector<1x16xf32>,
      %swap3A_63 = vector.shape_cast %swap3A_62 : vector<1x16xf32> to vector<16xf32>
      %swap3A_64 = vector.shape_cast %broadcast_in_dim3A_60 : vector<16xf32> to vector<1x16xf32>
      tpu.vector_store %arg8[%swap3A, %swap3A_61], %swap3A_64 {strides = array<i32>} : memref<128x128xf32, #tpu.memory_space<vmem>>, vector<1x16xf32>,
      %scan3A_65 = arith.constant 0 : i32
      scf.yield %scan3A_65 : i32
    }
    %scan3A_5 = arith.constant 1024 : i32
    %scan3A_6 = arith.constant 0 : i32
    %scan3A_7 = arith.constant 0 : i32
    %scan3A_8 = arith.constant 5 : i32
    %scan3A_9 = arith.addi %scan3A_7, %scan3A_8 : i32
    %scan3A_10 = arith.constant 1 : i32
    %scan3A_11 = scf.for %scan3A_28 = %scan3A_7 to %scan3A_9 step %scan3A_10 iter_args(%scan3A_29 = %scan3A_6) -> (i32)  : i32 {
      %mul3A = arith.constant 640 : i32
      %mul3A_30 = arith.muli %arg1, %mul3A : i32
      %mul3A_31 = arith.constant 128 : i32
      %mul3A_32 = arith.muli %scan3A_28, %mul3A_31 : i32
      %add3A = arith.addi %mul3A_30, %mul3A_32 : i32
      "tpu.region"() ({
        %run_scoped3A = tpu.sem_alloc : memref<!tpu.dma_semaphore, #tpu.memory_space<semaphore_mem>>
        %dma_start3A = arith.constant 0 : i32
        %dma_start3A_34 = tpu.memref_slice %arg9[%add3A, %dma_start3A] : memref<10240x128xf32, #tpu.memory_space<vmem_shared>> -> memref<128x128xf32, #tpu.memory_space<vmem_shared>>
        %dma_start3A_35 = arith.constant 0 : i32
        %dma_start3A_36 = tpu.memref_slice %arg9[%add3A, %dma_start3A_35] : memref<10240x128xf32, #tpu.memory_space<vmem_shared>> -> memref<128x128xf32, #tpu.memory_space<vmem_shared>>
        tpu.enqueue_dma source(%arg8 : memref<128x128xf32, #tpu.memory_space<vmem>>) target(%dma_start3A_36 : memref<128x128xf32, #tpu.memory_space<vmem_shared>>) target_semaphore(%run_scoped3A : memref<!tpu.dma_semaphore, #tpu.memory_space<semaphore_mem>>)
        %dma_wait3A = arith.constant 0 : i32
        %dma_wait3A_37 = tpu.memref_slice %arg9[%add3A, %dma_wait3A] : memref<10240x128xf32, #tpu.memory_space<vmem_shared>> -> memref<128x128xf32, #tpu.memory_space<vmem_shared>>
        %dma_wait3A_38 = arith.constant 0 : i32
        %dma_wait3A_39 = tpu.memref_slice %arg9[%add3A, %dma_wait3A_38] : memref<10240x128xf32, #tpu.memory_space<vmem_shared>> -> memref<128x128xf32, #tpu.memory_space<vmem_shared>>
        tpu.wait_dma2 semaphore(%run_scoped3A : memref<!tpu.dma_semaphore, #tpu.memory_space<semaphore_mem>>) src(%arg8 : memref<128x128xf32, #tpu.memory_space<vmem>>) dst(%dma_wait3A_39 : memref<128x128xf32, #tpu.memory_space<vmem_shared>>)
        tpu.yield
      }) : () -> ()
      %scan3A_33 = arith.constant 0 : i32
      scf.yield %scan3A_33 : i32
    }
    %scan3A_12 = arith.constant 5 : i32
    "tpu.region"() ({
      %run_scoped3A = tpu.sem_alloc : memref<!tpu.dma_semaphore, #tpu.memory_space<semaphore_mem>>
      %dma_start3A = arith.constant 0 : i32
      %dma_start3A_28 = arith.constant 0 : i32
      %dma_start3A_29 = tpu.memref_slice %arg3[%arg0, %arg1, %dma_start3A, %dma_start3A_28] : memref<2x16x79x128xi32, #tpu.memory_space<hbm>> -> memref<1x1x79x128xi32, #tpu.memory_space<hbm>>
      %dma_start3A_30 = tpu.memref_squeeze %dma_start3A_29 : memref<1x1x79x128xi32, #tpu.memory_space<hbm>> -> memref<79x128xi32, #tpu.memory_space<hbm>>
      %dma_start3A_31 = arith.constant 0 : i32
      %dma_start3A_32 = arith.constant 0 : i32
      %dma_start3A_33 = tpu.memref_slice %arg3[%arg0, %arg1, %dma_start3A_31, %dma_start3A_32] : memref<2x16x79x128xi32, #tpu.memory_space<hbm>> -> memref<1x1x79x128xi32, #tpu.memory_space<hbm>>
      %dma_start3A_34 = tpu.memref_squeeze %dma_start3A_33 : memref<1x1x79x128xi32, #tpu.memory_space<hbm>> -> memref<79x128xi32, #tpu.memory_space<hbm>>
      tpu.enqueue_dma source(%dma_start3A_34 : memref<79x128xi32, #tpu.memory_space<hbm>>) target(%arg6 : memref<79x128xi32, #tpu.memory_space<vmem>>) target_semaphore(%run_scoped3A : memref<!tpu.dma_semaphore, #tpu.memory_space<semaphore_mem>>)
      %dma_wait3A = arith.constant 0 : i32
      %dma_wait3A_35 = arith.constant 0 : i32
      %dma_wait3A_36 = tpu.memref_slice %arg3[%arg0, %arg1, %dma_wait3A, %dma_wait3A_35] : memref<2x16x79x128xi32, #tpu.memory_space<hbm>> -> memref<1x1x79x128xi32, #tpu.memory_space<hbm>>
      %dma_wait3A_37 = tpu.memref_squeeze %dma_wait3A_36 : memref<1x1x79x128xi32, #tpu.memory_space<hbm>> -> memref<79x128xi32, #tpu.memory_space<hbm>>
      %dma_wait3A_38 = arith.constant 0 : i32
      %dma_wait3A_39 = arith.constant 0 : i32
      %dma_wait3A_40 = tpu.memref_slice %arg3[%arg0, %arg1, %dma_wait3A_38, %dma_wait3A_39] : memref<2x16x79x128xi32, #tpu.memory_space<hbm>> -> memref<1x1x79x128xi32, #tpu.memory_space<hbm>>
      %dma_wait3A_41 = tpu.memref_squeeze %dma_wait3A_40 : memref<1x1x79x128xi32, #tpu.memory_space<hbm>> -> memref<79x128xi32, #tpu.memory_space<hbm>>
      tpu.wait_dma2 semaphore(%run_scoped3A : memref<!tpu.dma_semaphore, #tpu.memory_space<semaphore_mem>>) src(%dma_wait3A_41 : memref<79x128xi32, #tpu.memory_space<hbm>>) dst(%arg6 : memref<79x128xi32, #tpu.memory_space<vmem>>)
      tpu.yield
    }) : () -> ()
    "tpu.region"() ({
      %run_scoped3A = tpu.sem_alloc : memref<!tpu.dma_semaphore, #tpu.memory_space<semaphore_mem>>
      %dma_start3A = arith.constant 0 : i32
      %dma_start3A_28 = arith.constant 0 : i32
      %dma_start3A_29 = tpu.memref_slice %arg4[%arg0, %arg1, %dma_start3A, %dma_start3A_28] : memref<2x16x79x128xi32, #tpu.memory_space<hbm>> -> memref<1x1x79x128xi32, #tpu.memory_space<hbm>>
      %dma_start3A_30 = tpu.memref_squeeze %dma_start3A_29 : memref<1x1x79x128xi32, #tpu.memory_space<hbm>> -> memref<79x128xi32, #tpu.memory_space<hbm>>
      %dma_start3A_31 = arith.constant 0 : i32
      %dma_start3A_32 = arith.constant 0 : i32
      %dma_start3A_33 = tpu.memref_slice %arg4[%arg0, %arg1, %dma_start3A_31, %dma_start3A_32] : memref<2x16x79x128xi32, #tpu.memory_space<hbm>> -> memref<1x1x79x128xi32, #tpu.memory_space<hbm>>
      %dma_start3A_34 = tpu.memref_squeeze %dma_start3A_33 : memref<1x1x79x128xi32, #tpu.memory_space<hbm>> -> memref<79x128xi32, #tpu.memory_space<hbm>>
      tpu.enqueue_dma source(%dma_start3A_34 : memref<79x128xi32, #tpu.memory_space<hbm>>) target(%arg7 : memref<79x128xi32, #tpu.memory_space<vmem>>) target_semaphore(%run_scoped3A : memref<!tpu.dma_semaphore, #tpu.memory_space<semaphore_mem>>)
      %dma_wait3A = arith.constant 0 : i32
      %dma_wait3A_35 = arith.constant 0 : i32
      %dma_wait3A_36 = tpu.memref_slice %arg4[%arg0, %arg1, %dma_wait3A, %dma_wait3A_35] : memref<2x16x79x128xi32, #tpu.memory_space<hbm>> -> memref<1x1x79x128xi32, #tpu.memory_space<hbm>>
      %dma_wait3A_37 = tpu.memref_squeeze %dma_wait3A_36 : memref<1x1x79x128xi32, #tpu.memory_space<hbm>> -> memref<79x128xi32, #tpu.memory_space<hbm>>
      %dma_wait3A_38 = arith.constant 0 : i32
      %dma_wait3A_39 = arith.constant 0 : i32
      %dma_wait3A_40 = tpu.memref_slice %arg4[%arg0, %arg1, %dma_wait3A_38, %dma_wait3A_39] : memref<2x16x79x128xi32, #tpu.memory_space<hbm>> -> memref<1x1x79x128xi32, #tpu.memory_space<hbm>>
      %dma_wait3A_41 = tpu.memref_squeeze %dma_wait3A_40 : memref<1x1x79x128xi32, #tpu.memory_space<hbm>> -> memref<79x128xi32, #tpu.memory_space<hbm>>
      tpu.wait_dma2 semaphore(%run_scoped3A : memref<!tpu.dma_semaphore, #tpu.memory_space<semaphore_mem>>) src(%dma_wait3A_41 : memref<79x128xi32, #tpu.memory_space<hbm>>) dst(%arg7 : memref<79x128xi32, #tpu.memory_space<vmem>>)
      tpu.yield
    }) : () -> ()
    %barrier3A = arith.constant 0 : index
    tpu.barrier barrier_id(%barrier3A)
    %scan3A_13 = arith.constant 0 : i32
    %scan3A_14 = arith.constant 0 : i32
    %scan3A_15 = arith.constant 79 : i32
    %scan3A_16 = arith.addi %scan3A_14, %scan3A_15 : i32
    %scan3A_17 = arith.constant 1 : i32
    %scan3A_18 = scf.for %scan3A_28 = %scan3A_14 to %scan3A_16 step %scan3A_17 iter_args(%scan3A_29 = %scan3A_13) -> (i32)  : i32 {
      %dma_start3A = arith.constant 0 : i32
      %dma_start3A_30 = tpu.memref_slice %arg6[%scan3A_28, %dma_start3A] : memref<79x128xi32, #tpu.memory_space<vmem>> -> memref<1x128xi32, #tpu.memory_space<vmem>>
      %dma_start3A_31 = tpu.memref_squeeze %dma_start3A_30 : memref<1x128xi32, #tpu.memory_space<vmem>> -> memref<128xi32, #tpu.memory_space<vmem>>
      %dma_start3A_32 = arith.constant 0 : i32
      %dma_start3A_33 = arith.constant 0 : i32
      %dma_start3A_34 = tpu.memref_slice %arg2[%dma_start3A_32, %dma_start3A_33] : memref<20480x128xf32, #tpu.memory_space<hbm>> -> memref<20480x128xf32, #tpu.memory_space<hbm>>
      tpu.enqueue_indirect_dma source(%dma_start3A_34 : memref<20480x128xf32, #tpu.memory_space<hbm>>) target(%arg8 : memref<128x128xf32, #tpu.memory_space<vmem>>) offsets(%dma_start3A_31 : memref<128xi32, #tpu.memory_space<vmem>>) semaphore(%arg10 : memref<!tpu.dma_semaphore, #tpu.memory_space<semaphore_mem>>)
      %dma_wait3A = arith.constant 0 : i32
      %dma_wait3A_35 = tpu.memref_slice %arg6[%scan3A_28, %dma_wait3A] : memref<79x128xi32, #tpu.memory_space<vmem>> -> memref<1x128xi32, #tpu.memory_space<vmem>>
      %dma_wait3A_36 = tpu.memref_squeeze %dma_wait3A_35 : memref<1x128xi32, #tpu.memory_space<vmem>> -> memref<128xi32, #tpu.memory_space<vmem>>
      %dma_wait3A_37 = arith.constant 0 : i32
      %dma_wait3A_38 = arith.constant 0 : i32
      %dma_wait3A_39 = tpu.memref_slice %arg2[%dma_wait3A_37, %dma_wait3A_38] : memref<20480x128xf32, #tpu.memory_space<hbm>> -> memref<20480x128xf32, #tpu.memory_space<hbm>>
      tpu.wait_indirect_dma semaphore(%arg10 : memref<!tpu.dma_semaphore, #tpu.memory_space<semaphore_mem>>) src(%dma_wait3A_39 : memref<20480x128xf32, #tpu.memory_space<hbm>>) dst(%arg8 : memref<128x128xf32, #tpu.memory_space<vmem>>)
      "tpu.region"() ({
        %run_scoped3A = tpu.sem_alloc : memref<!tpu.dma_semaphore, #tpu.memory_space<semaphore_mem>>
        %dma_start3A_41 = arith.constant 0 : i32
        %dma_start3A_42 = tpu.memref_slice %arg7[%scan3A_28, %dma_start3A_41] : memref<79x128xi32, #tpu.memory_space<vmem>> -> memref<1x128xi32, #tpu.memory_space<vmem>>
        %dma_start3A_43 = tpu.memref_squeeze %dma_start3A_42 : memref<1x128xi32, #tpu.memory_space<vmem>> -> memref<128xi32, #tpu.memory_space<vmem>>
        %dma_start3A_44 = arith.constant 0 : i32
        %dma_start3A_45 = arith.constant 0 : i32
        %dma_start3A_46 = tpu.memref_slice %arg9[%dma_start3A_44, %dma_start3A_45] : memref<10240x128xf32, #tpu.memory_space<vmem_shared>> -> memref<10240x128xf32, #tpu.memory_space<vmem_shared>>
        tpu.enqueue_indirect_dma source(%arg8 : memref<128x128xf32, #tpu.memory_space<vmem>>) target(%dma_start3A_46 : memref<10240x128xf32, #tpu.memory_space<vmem_shared>>) offsets(%dma_start3A_43 : memref<128xi32, #tpu.memory_space<vmem>>) semaphore(%run_scoped3A : memref<!tpu.dma_semaphore, #tpu.memory_space<semaphore_mem>>) {add = true}
        %dma_wait3A_47 = arith.constant 0 : i32
        %dma_wait3A_48 = tpu.memref_slice %arg7[%scan3A_28, %dma_wait3A_47] : memref<79x128xi32, #tpu.memory_space<vmem>> -> memref<1x128xi32, #tpu.memory_space<vmem>>
        %dma_wait3A_49 = tpu.memref_squeeze %dma_wait3A_48 : memref<1x128xi32, #tpu.memory_space<vmem>> -> memref<128xi32, #tpu.memory_space<vmem>>
        %dma_wait3A_50 = arith.constant 0 : i32
        %dma_wait3A_51 = arith.constant 0 : i32
        %dma_wait3A_52 = tpu.memref_slice %arg9[%dma_wait3A_50, %dma_wait3A_51] : memref<10240x128xf32, #tpu.memory_space<vmem_shared>> -> memref<10240x128xf32, #tpu.memory_space<vmem_shared>>
        tpu.wait_indirect_dma semaphore(%run_scoped3A : memref<!tpu.dma_semaphore, #tpu.memory_space<semaphore_mem>>) src(%arg8 : memref<128x128xf32, #tpu.memory_space<vmem>>) dst(%dma_wait3A_52 : memref<10240x128xf32, #tpu.memory_space<vmem_shared>>)
        tpu.yield
      }) : () -> ()
      %scan3A_40 = arith.constant 0 : i32
      scf.yield %scan3A_40 : i32
    }
    %scan3A_19 = arith.constant 79 : i32
    %barrier3A_20 = arith.constant 0 : index
    tpu.barrier barrier_id(%barrier3A_20)
    %scan3A_21 = arith.constant 0 : i32
    %scan3A_22 = arith.constant 0 : i32
    %scan3A_23 = arith.constant 5 : i32
    %scan3A_24 = arith.addi %scan3A_22, %scan3A_23 : i32
    %scan3A_25 = arith.constant 1 : i32
    %scan3A_26 = scf.for %scan3A_28 = %scan3A_22 to %scan3A_24 step %scan3A_25 iter_args(%scan3A_29 = %scan3A_21) -> (i32)  : i32 {
      %mul3A = arith.constant 640 : i32
      %mul3A_30 = arith.muli %arg1, %mul3A : i32
      %mul3A_31 = arith.constant 128 : i32
      %mul3A_32 = arith.muli %scan3A_28, %mul3A_31 : i32
      %add3A = arith.addi %mul3A_30, %mul3A_32 : i32
      "tpu.region"() ({
        %run_scoped3A = tpu.sem_alloc : memref<!tpu.dma_semaphore, #tpu.memory_space<semaphore_mem>>
        %dma_start3A = arith.constant 0 : i32
        %dma_start3A_39 = tpu.memref_slice %arg9[%add3A, %dma_start3A] : memref<10240x128xf32, #tpu.memory_space<vmem_shared>> -> memref<128x128xf32, #tpu.memory_space<vmem_shared>>
        %dma_start3A_40 = arith.constant 0 : i32
        %dma_start3A_41 = tpu.memref_slice %arg9[%add3A, %dma_start3A_40] : memref<10240x128xf32, #tpu.memory_space<vmem_shared>> -> memref<128x128xf32, #tpu.memory_space<vmem_shared>>
        tpu.enqueue_dma source(%dma_start3A_41 : memref<128x128xf32, #tpu.memory_space<vmem_shared>>) target(%arg8 : memref<128x128xf32, #tpu.memory_space<vmem>>) target_semaphore(%run_scoped3A : memref<!tpu.dma_semaphore, #tpu.memory_space<semaphore_mem>>)
        %dma_wait3A = arith.constant 0 : i32
        %dma_wait3A_42 = tpu.memref_slice %arg9[%add3A, %dma_wait3A] : memref<10240x128xf32, #tpu.memory_space<vmem_shared>> -> memref<128x128xf32, #tpu.memory_space<vmem_shared>>
        %dma_wait3A_43 = arith.constant 0 : i32
        %dma_wait3A_44 = tpu.memref_slice %arg9[%add3A, %dma_wait3A_43] : memref<10240x128xf32, #tpu.memory_space<vmem_shared>> -> memref<128x128xf32, #tpu.memory_space<vmem_shared>>
        tpu.wait_dma2 semaphore(%run_scoped3A : memref<!tpu.dma_semaphore, #tpu.memory_space<semaphore_mem>>) src(%dma_wait3A_44 : memref<128x128xf32, #tpu.memory_space<vmem_shared>>) dst(%arg8 : memref<128x128xf32, #tpu.memory_space<vmem>>)
        tpu.yield
      }) : () -> ()
      %mul3A_33 = arith.constant 640 : i32
      %mul3A_34 = arith.muli %arg1, %mul3A_33 : i32
      %mul3A_35 = arith.constant 128 : i32
      %mul3A_36 = arith.muli %scan3A_28, %mul3A_35 : i32
      %add3A_37 = arith.addi %mul3A_34, %mul3A_36 : i32
      "tpu.region"() ({
        %run_scoped3A = tpu.sem_alloc : memref<!tpu.dma_semaphore, #tpu.memory_space<semaphore_mem>>
        %dma_start3A = arith.constant 0 : i32
        %dma_start3A_39 = tpu.memref_slice %arg5[%arg0, %add3A_37, %dma_start3A] : memref<2x10240x128xf32, #tpu.memory_space<hbm>> -> memref<1x128x128xf32, #tpu.memory_space<hbm>>
        %dma_start3A_40 = tpu.memref_squeeze %dma_start3A_39 : memref<1x128x128xf32, #tpu.memory_space<hbm>> -> memref<128x128xf32, #tpu.memory_space<hbm>>
        %dma_start3A_41 = arith.constant 0 : i32
        %dma_start3A_42 = tpu.memref_slice %arg5[%arg0, %add3A_37, %dma_start3A_41] : memref<2x10240x128xf32, #tpu.memory_space<hbm>> -> memref<1x128x128xf32, #tpu.memory_space<hbm>>
        %dma_start3A_43 = tpu.memref_squeeze %dma_start3A_42 : memref<1x128x128xf32, #tpu.memory_space<hbm>> -> memref<128x128xf32, #tpu.memory_space<hbm>>
        tpu.enqueue_dma source(%arg8 : memref<128x128xf32, #tpu.memory_space<vmem>>) target(%dma_start3A_43 : memref<128x128xf32, #tpu.memory_space<hbm>>) target_semaphore(%run_scoped3A : memref<!tpu.dma_semaphore, #tpu.memory_space<semaphore_mem>>)
        %dma_wait3A = arith.constant 0 : i32
        %dma_wait3A_44 = tpu.memref_slice %arg5[%arg0, %add3A_37, %dma_wait3A] : memref<2x10240x128xf32, #tpu.memory_space<hbm>> -> memref<1x128x128xf32, #tpu.memory_space<hbm>>
        %dma_wait3A_45 = tpu.memref_squeeze %dma_wait3A_44 : memref<1x128x128xf32, #tpu.memory_space<hbm>> -> memref<128x128xf32, #tpu.memory_space<hbm>>
        %dma_wait3A_46 = arith.constant 0 : i32
        %dma_wait3A_47 = tpu.memref_slice %arg5[%arg0, %add3A_37, %dma_wait3A_46] : memref<2x10240x128xf32, #tpu.memory_space<hbm>> -> memref<1x128x128xf32, #tpu.memory_space<hbm>>
        %dma_wait3A_48 = tpu.memref_squeeze %dma_wait3A_47 : memref<1x128x128xf32, #tpu.memory_space<hbm>> -> memref<128x128xf32, #tpu.memory_space<hbm>>
        tpu.wait_dma2 semaphore(%run_scoped3A : memref<!tpu.dma_semaphore, #tpu.memory_space<semaphore_mem>>) src(%arg8 : memref<128x128xf32, #tpu.memory_space<vmem>>) dst(%dma_wait3A_48 : memref<128x128xf32, #tpu.memory_space<hbm>>)
        tpu.yield
      }) : () -> ()
      %scan3A_38 = arith.constant 0 : i32
      scf.yield %scan3A_38 : i32
    }
    %scan3A_27 = arith.constant 5 : i32
    return
  }
}

module attributes {stable_mosaic.version = 14 : i64} {
  func.func @_tc_a_body(%arg0: i32, %arg1: i32, %arg2: memref<1x1024x128xf32, #tpu.memory_space<vmem>>, %arg3: memref<128x128xf32, #tpu.memory_space<vmem>>, %arg4: memref<1x1024x1xf32, #tpu.memory_space<vmem>>, %arg5: memref<1x1024x128xf32, #tpu.memory_space<vmem>>) attributes {dimension_semantics = [#tpu.dimension_semantics<arbitrary>, #tpu.dimension_semantics<arbitrary>], iteration_bounds = array<i64: 2, 10>, scalar_prefetch = 0 : i64, scratch_operands = 0 : i64, tpu.core_type = #tpu.core_type<tc>, window_params = [{transform_indices = @transform_0, window_bounds = array<i64: 1, 1024, 128>}, {pipeline_mode = #tpu.pipeline_mode<synchronous>, transform_indices = @transform_1, window_bounds = array<i64: 128, 128>}, {transform_indices = @transform_2, window_bounds = array<i64: 1, 1024, 1>}, {transform_indices = @transform_3, window_bounds = array<i64: 1, 1024, 128>}]} {
    %get3A = arith.constant 0 : index
    %get3A_0 = arith.constant 0 : index
    %get3A_1 = arith.constant 0 : index
    %get3A_2 = vector.load %arg2[%get3A, %get3A_0, %get3A_1] : memref<1x1024x128xf32, #tpu.memory_space<vmem>>, vector<1x1024x128xf32>
    %get3A_3 = vector.shape_cast %get3A_2 : vector<1x1024x128xf32> to vector<1024x128xf32>
    %get3A_4 = arith.constant 0 : index
    %get3A_5 = arith.constant 0 : index
    %get3A_6 = vector.load %arg3[%get3A_4, %get3A_5] : memref<128x128xf32, #tpu.memory_space<vmem>>, vector<128x128xf32>
    %dot_general3A = arith.constant dense<0.000000e+00> : vector<1024x128xf32>
    %dot_general3A_7 = tpu.matmul %get3A_3, %get3A_6, %dot_general3A {dimension_numbers = #tpu.dot_dimension_numbers<[1], [0], [0], [1], [0, 0, 1, 1], [], []>, transpose_lhs_hint = false} : vector<1024x128xf32>, vector<128x128xf32>, vector<1024x128xf32> -> vector<1024x128xf32>
    %get3A_8 = arith.constant 0 : index
    %get3A_9 = arith.constant 0 : index
    %get3A_10 = arith.constant 0 : index
    %get3A_11 = vector.load %arg4[%get3A_8, %get3A_9, %get3A_10] : memref<1x1024x1xf32, #tpu.memory_space<vmem>>, vector<1x1024x1xf32>
    %get3A_12 = vector.shape_cast %get3A_11 : vector<1x1024x1xf32> to vector<1024x1xf32>
    %mul3A = vector.broadcast %get3A_12 : vector<1024x1xf32> to vector<1024x128xf32>
    %mul3A_13 = arith.mulf %dot_general3A_7, %mul3A : vector<1024x128xf32>
    %swap3A = arith.constant 0 : index
    %swap3A_14 = arith.constant 0 : index
    %swap3A_15 = arith.constant 0 : index
    %swap3A_16 = vector.load %arg5[%swap3A, %swap3A_14, %swap3A_15] : memref<1x1024x128xf32, #tpu.memory_space<vmem>>, vector<1x1024x128xf32>
    %swap3A_17 = vector.shape_cast %swap3A_16 : vector<1x1024x128xf32> to vector<1024x128xf32>
    %swap3A_18 = vector.shape_cast %mul3A_13 : vector<1024x128xf32> to vector<1x1024x128xf32>
    tpu.vector_store %arg5[%swap3A, %swap3A_14, %swap3A_15], %swap3A_18 {strides = array<i32>} : memref<1x1024x128xf32, #tpu.memory_space<vmem>>, vector<1x1024x128xf32>,
    return
  }
  func.func @transform_0(%arg0: i32, %arg1: i32) -> (i32, i32, i32) {
    %c0_i32 = arith.constant 0 : i32
    %c0_i32_0 = arith.constant 0 : i32
    return %arg0, %arg1, %c0_i32 : i32, i32, i32
  }
  func.func @transform_1(%arg0: i32, %arg1: i32) -> (i32, i32) {
    %c0_i32 = arith.constant 0 : i32
    %c0_i32_0 = arith.constant 0 : i32
    %c0_i32_1 = arith.constant 0 : i32
    return %c0_i32, %c0_i32_0 : i32, i32
  }
  func.func @transform_2(%arg0: i32, %arg1: i32) -> (i32, i32, i32) {
    %c0_i32 = arith.constant 0 : i32
    %c0_i32_0 = arith.constant 0 : i32
    return %arg0, %arg1, %c0_i32 : i32, i32, i32
  }
  func.func @transform_3(%arg0: i32, %arg1: i32) -> (i32, i32, i32) {
    %c0_i32 = arith.constant 0 : i32
    %c0_i32_0 = arith.constant 0 : i32
    return %arg0, %arg1, %c0_i32 : i32, i32, i32
  }
}

module attributes {stable_mosaic.version = 14 : i64} {
  func.func @_tc_b_body(%arg0: i32, %arg1: i32, %arg2: memref<1x1024x128xf32, #tpu.memory_space<vmem>>, %arg3: memref<1x1024x128xf32, #tpu.memory_space<vmem>>, %arg4: memref<1x1024x1xf32, #tpu.memory_space<vmem>>, %arg5: memref<128x128xf32, #tpu.memory_space<vmem>>, %arg6: memref<1x128xf32, #tpu.memory_space<vmem>>, %arg7: memref<1x1024x128xf32, #tpu.memory_space<vmem>>, %arg8: memref<1x1024x128xf32, #tpu.memory_space<vmem>>) attributes {dimension_semantics = [#tpu.dimension_semantics<arbitrary>, #tpu.dimension_semantics<arbitrary>], iteration_bounds = array<i64: 2, 10>, scalar_prefetch = 0 : i64, scratch_operands = 0 : i64, tpu.core_type = #tpu.core_type<tc>, window_params = [{transform_indices = @transform_0, window_bounds = array<i64: 1, 1024, 128>}, {transform_indices = @transform_1, window_bounds = array<i64: 1, 1024, 128>}, {transform_indices = @transform_2, window_bounds = array<i64: 1, 1024, 1>}, {pipeline_mode = #tpu.pipeline_mode<synchronous>, transform_indices = @transform_3, window_bounds = array<i64: 128, 128>}, {pipeline_mode = #tpu.pipeline_mode<synchronous>, transform_indices = @transform_4, window_bounds = array<i64: 1, 128>}, {transform_indices = @transform_5, window_bounds = array<i64: 1, 1024, 128>}, {transform_indices = @transform_6, window_bounds = array<i64: 1, 1024, 128>}]} {
    %get3A = arith.constant 0 : index
    %get3A_0 = arith.constant 0 : index
    %get3A_1 = arith.constant 0 : index
    %get3A_2 = vector.load %arg4[%get3A, %get3A_0, %get3A_1] : memref<1x1024x1xf32, #tpu.memory_space<vmem>>, vector<1x1024x1xf32>
    %get3A_3 = vector.shape_cast %get3A_2 : vector<1x1024x1xf32> to vector<1024x1xf32>
    %get3A_4 = arith.constant 0 : index
    %get3A_5 = arith.constant 0 : index
    %get3A_6 = arith.constant 0 : index
    %get3A_7 = vector.load %arg2[%get3A_4, %get3A_5, %get3A_6] : memref<1x1024x128xf32, #tpu.memory_space<vmem>>, vector<1x1024x128xf32>
    %get3A_8 = vector.shape_cast %get3A_7 : vector<1x1024x128xf32> to vector<1024x128xf32>
    %get3A_9 = arith.constant 0 : index
    %get3A_10 = arith.constant 0 : index
    %get3A_11 = arith.constant 0 : index
    %get3A_12 = vector.load %arg3[%get3A_9, %get3A_10, %get3A_11] : memref<1x1024x128xf32, #tpu.memory_space<vmem>>, vector<1x1024x128xf32>
    %get3A_13 = vector.shape_cast %get3A_12 : vector<1x1024x128xf32> to vector<1024x128xf32>
    %add3A = arith.addf %get3A_8, %get3A_13 : vector<1024x128xf32>
    %mul3A = vector.broadcast %get3A_3 : vector<1024x1xf32> to vector<1024x128xf32>
    %mul3A_14 = arith.mulf %add3A, %mul3A : vector<1024x128xf32>
    %get3A_15 = arith.constant 0 : index
    %get3A_16 = arith.constant 0 : index
    %get3A_17 = vector.load %arg6[%get3A_15, %get3A_16] : memref<1x128xf32, #tpu.memory_space<vmem>>, vector<1x128xf32>
    %add3A_18 = vector.broadcast %get3A_17 : vector<1x128xf32> to vector<1024x128xf32>
    %add3A_19 = arith.addf %mul3A_14, %add3A_18 : vector<1024x128xf32>
    %max3A = arith.constant 0.000000e+00 : f32
    %max3A_20 = vector.broadcast %max3A : f32 to vector<1024x128xf32>
    %max3A_21 = arith.maximumf %add3A_19, %max3A_20 : vector<1024x128xf32>
    %swap3A = arith.constant 0 : index
    %swap3A_22 = arith.constant 0 : index
    %swap3A_23 = arith.constant 0 : index
    %swap3A_24 = vector.load %arg7[%swap3A, %swap3A_22, %swap3A_23] : memref<1x1024x128xf32, #tpu.memory_space<vmem>>, vector<1x1024x128xf32>
    %swap3A_25 = vector.shape_cast %swap3A_24 : vector<1x1024x128xf32> to vector<1024x128xf32>
    %swap3A_26 = vector.shape_cast %max3A_21 : vector<1024x128xf32> to vector<1x1024x128xf32>
    tpu.vector_store %arg7[%swap3A, %swap3A_22, %swap3A_23], %swap3A_26 {strides = array<i32>} : memref<1x1024x128xf32, #tpu.memory_space<vmem>>, vector<1x1024x128xf32>,
    %get3A_27 = arith.constant 0 : index
    %get3A_28 = arith.constant 0 : index
    %get3A_29 = vector.load %arg5[%get3A_27, %get3A_28] : memref<128x128xf32, #tpu.memory_space<vmem>>, vector<128x128xf32>
    %dot_general3A = arith.constant dense<0.000000e+00> : vector<1024x128xf32>
    %dot_general3A_30 = tpu.matmul %max3A_21, %get3A_29, %dot_general3A {dimension_numbers = #tpu.dot_dimension_numbers<[1], [0], [0], [1], [0, 0, 1, 1], [], []>, transpose_lhs_hint = false} : vector<1024x128xf32>, vector<128x128xf32>, vector<1024x128xf32> -> vector<1024x128xf32>
    %mul3A_31 = vector.broadcast %get3A_3 : vector<1024x1xf32> to vector<1024x128xf32>
    %mul3A_32 = arith.mulf %dot_general3A_30, %mul3A_31 : vector<1024x128xf32>
    %swap3A_33 = arith.constant 0 : index
    %swap3A_34 = arith.constant 0 : index
    %swap3A_35 = arith.constant 0 : index
    %swap3A_36 = vector.load %arg8[%swap3A_33, %swap3A_34, %swap3A_35] : memref<1x1024x128xf32, #tpu.memory_space<vmem>>, vector<1x1024x128xf32>
    %swap3A_37 = vector.shape_cast %swap3A_36 : vector<1x1024x128xf32> to vector<1024x128xf32>
    %swap3A_38 = vector.shape_cast %mul3A_32 : vector<1024x128xf32> to vector<1x1024x128xf32>
    tpu.vector_store %arg8[%swap3A_33, %swap3A_34, %swap3A_35], %swap3A_38 {strides = array<i32>} : memref<1x1024x128xf32, #tpu.memory_space<vmem>>, vector<1x1024x128xf32>,
    return
  }
  func.func @transform_0(%arg0: i32, %arg1: i32) -> (i32, i32, i32) {
    %c0_i32 = arith.constant 0 : i32
    %c0_i32_0 = arith.constant 0 : i32
    return %arg0, %arg1, %c0_i32 : i32, i32, i32
  }
  func.func @transform_1(%arg0: i32, %arg1: i32) -> (i32, i32, i32) {
    %c0_i32 = arith.constant 0 : i32
    %c0_i32_0 = arith.constant 0 : i32
    return %arg0, %arg1, %c0_i32 : i32, i32, i32
  }
  func.func @transform_2(%arg0: i32, %arg1: i32) -> (i32, i32, i32) {
    %c0_i32 = arith.constant 0 : i32
    %c0_i32_0 = arith.constant 0 : i32
    return %arg0, %arg1, %c0_i32 : i32, i32, i32
  }
  func.func @transform_3(%arg0: i32, %arg1: i32) -> (i32, i32) {
    %c0_i32 = arith.constant 0 : i32
    %c0_i32_0 = arith.constant 0 : i32
    %c0_i32_1 = arith.constant 0 : i32
    return %c0_i32, %c0_i32_0 : i32, i32
  }
  func.func @transform_4(%arg0: i32, %arg1: i32) -> (i32, i32) {
    %c0_i32 = arith.constant 0 : i32
    %c0_i32_0 = arith.constant 0 : i32
    %c0_i32_1 = arith.constant 0 : i32
    return %c0_i32, %c0_i32_0 : i32, i32
  }
  func.func @transform_5(%arg0: i32, %arg1: i32) -> (i32, i32, i32) {
    %c0_i32 = arith.constant 0 : i32
    %c0_i32_0 = arith.constant 0 : i32
    return %arg0, %arg1, %c0_i32 : i32, i32, i32
  }
  func.func @transform_6(%arg0: i32, %arg1: i32) -> (i32, i32, i32) {
    %c0_i32 = arith.constant 0 : i32
    %c0_i32_0 = arith.constant 0 : i32
    return %arg0, %arg1, %c0_i32 : i32, i32, i32
  }
}

module attributes {stable_mosaic.version = 14 : i64} {
  func.func @_tc_c_body(%arg0: i32, %arg1: i32, %arg2: memref<1x1024x128xf32, #tpu.memory_space<vmem>>, %arg3: memref<1x1024x128xf32, #tpu.memory_space<vmem>>, %arg4: memref<1x1024x1xf32, #tpu.memory_space<vmem>>, %arg5: memref<1x128xf32, #tpu.memory_space<vmem>>, %arg6: memref<1x1024x128xf32, #tpu.memory_space<vmem>>) attributes {dimension_semantics = [#tpu.dimension_semantics<arbitrary>, #tpu.dimension_semantics<arbitrary>], iteration_bounds = array<i64: 2, 10>, scalar_prefetch = 0 : i64, scratch_operands = 0 : i64, tpu.core_type = #tpu.core_type<tc>, window_params = [{transform_indices = @transform_0, window_bounds = array<i64: 1, 1024, 128>}, {transform_indices = @transform_1, window_bounds = array<i64: 1, 1024, 128>}, {transform_indices = @transform_2, window_bounds = array<i64: 1, 1024, 1>}, {pipeline_mode = #tpu.pipeline_mode<synchronous>, transform_indices = @transform_3, window_bounds = array<i64: 1, 128>}, {transform_indices = @transform_4, window_bounds = array<i64: 1, 1024, 128>}]} {
    %get3A = arith.constant 0 : index
    %get3A_0 = arith.constant 0 : index
    %get3A_1 = arith.constant 0 : index
    %get3A_2 = vector.load %arg2[%get3A, %get3A_0, %get3A_1] : memref<1x1024x128xf32, #tpu.memory_space<vmem>>, vector<1x1024x128xf32>
    %get3A_3 = vector.shape_cast %get3A_2 : vector<1x1024x128xf32> to vector<1024x128xf32>
    %get3A_4 = arith.constant 0 : index
    %get3A_5 = arith.constant 0 : index
    %get3A_6 = arith.constant 0 : index
    %get3A_7 = vector.load %arg3[%get3A_4, %get3A_5, %get3A_6] : memref<1x1024x128xf32, #tpu.memory_space<vmem>>, vector<1x1024x128xf32>
    %get3A_8 = vector.shape_cast %get3A_7 : vector<1x1024x128xf32> to vector<1024x128xf32>
    %add3A = arith.addf %get3A_3, %get3A_8 : vector<1024x128xf32>
    %get3A_9 = arith.constant 0 : index
    %get3A_10 = arith.constant 0 : index
    %get3A_11 = arith.constant 0 : index
    %get3A_12 = vector.load %arg4[%get3A_9, %get3A_10, %get3A_11] : memref<1x1024x1xf32, #tpu.memory_space<vmem>>, vector<1x1024x1xf32>
    %get3A_13 = vector.shape_cast %get3A_12 : vector<1x1024x1xf32> to vector<1024x1xf32>
    %mul3A = vector.broadcast %get3A_13 : vector<1024x1xf32> to vector<1024x128xf32>
    %mul3A_14 = arith.mulf %add3A, %mul3A : vector<1024x128xf32>
    %get3A_15 = arith.constant 0 : index
    %get3A_16 = arith.constant 0 : index
    %get3A_17 = vector.load %arg5[%get3A_15, %get3A_16] : memref<1x128xf32, #tpu.memory_space<vmem>>, vector<1x128xf32>
    %add3A_18 = vector.broadcast %get3A_17 : vector<1x128xf32> to vector<1024x128xf32>
    %add3A_19 = arith.addf %mul3A_14, %add3A_18 : vector<1024x128xf32>
    %max3A = arith.constant 0.000000e+00 : f32
    %max3A_20 = vector.broadcast %max3A : f32 to vector<1024x128xf32>
    %max3A_21 = arith.maximumf %add3A_19, %max3A_20 : vector<1024x128xf32>
    %swap3A = arith.constant 0 : index
    %swap3A_22 = arith.constant 0 : index
    %swap3A_23 = arith.constant 0 : index
    %swap3A_24 = vector.load %arg6[%swap3A, %swap3A_22, %swap3A_23] : memref<1x1024x128xf32, #tpu.memory_space<vmem>>, vector<1x1024x128xf32>
    %swap3A_25 = vector.shape_cast %swap3A_24 : vector<1x1024x128xf32> to vector<1024x128xf32>
    %swap3A_26 = vector.shape_cast %max3A_21 : vector<1024x128xf32> to vector<1x1024x128xf32>
    tpu.vector_store %arg6[%swap3A, %swap3A_22, %swap3A_23], %swap3A_26 {strides = array<i32>} : memref<1x1024x128xf32, #tpu.memory_space<vmem>>, vector<1x1024x128xf32>,
    return
  }
  func.func @transform_0(%arg0: i32, %arg1: i32) -> (i32, i32, i32) {
    %c0_i32 = arith.constant 0 : i32
    %c0_i32_0 = arith.constant 0 : i32
    return %arg0, %arg1, %c0_i32 : i32, i32, i32
  }
  func.func @transform_1(%arg0: i32, %arg1: i32) -> (i32, i32, i32) {
    %c0_i32 = arith.constant 0 : i32
    %c0_i32_0 = arith.constant 0 : i32
    return %arg0, %arg1, %c0_i32 : i32, i32, i32
  }
  func.func @transform_2(%arg0: i32, %arg1: i32) -> (i32, i32, i32) {
    %c0_i32 = arith.constant 0 : i32
    %c0_i32_0 = arith.constant 0 : i32
    return %arg0, %arg1, %c0_i32 : i32, i32, i32
  }
  func.func @transform_3(%arg0: i32, %arg1: i32) -> (i32, i32) {
    %c0_i32 = arith.constant 0 : i32
    %c0_i32_0 = arith.constant 0 : i32
    %c0_i32_1 = arith.constant 0 : i32
    return %c0_i32, %c0_i32_0 : i32, i32
  }
  func.func @transform_4(%arg0: i32, %arg1: i32) -> (i32, i32, i32) {
    %c0_i32 = arith.constant 0 : i32
    %c0_i32_0 = arith.constant 0 : i32
    return %arg0, %arg1, %c0_i32 : i32, i32, i32
  }
}

</mosaic_0001>

<sc_bundles>
// kernel: kernel.11.cloned.1.call-start
scs
__scs_entry_jumppad:
0x0: {  	(pc) =	sbr.rel $0x88, $3  }
0x1: {  	(tag) =	ssettag $0x0;
	lr =	simm.s32 $0x1  }
0x2: {  	[smem:$0x3F9A] =	sst lr;
	_ =	strace $0xD0000000  }
0x3: {  	_ = 	snop  }
0x4: {  	_ = 	snop  }
0x5: {  	_ = 	snop  }
0x6: {  	_ = 	snop  }
0x7: {  	_ = 	snop  }
__scs_overlays_trampoline_lowered:
0x8: {  	[smem:$0x3FA9] =	sst s0  }
0x9: {  	[smem:$0x3FAA] =	sst s1  }
0xa: {  	[smem:$0x3FAB] =	sst s2  }
0xb: {  	[smem:$0x3FAC] =	sst s3  }
0xc: {  	[smem:$0x3FAD] =	sst s4  }
0xd: {  	[smem:$0x3FAE] =	sst s5  }
0xe: {  	[smem:$0x3FAF] =	sst s6  }
0xf: {  	[smem:$0x3FB0] =	sst s7  }
0x10: {  	[smem:$0x3FB1] =	sst s8  }
0x11: {  	[smem:$0x3FB2] =	sst s9;
	s0 =	simm.s32 @!p0 $0x0  }
0x12: {  	s1 =	sld [smem:$0x3F98];
	s0 =	simm.s32 @p0 $0x1  }
0x13: {  	[smem:$0x3FB3] =	sst s0;
	s0 =	simm.s32 @!p1 $0x0  }
0x14: {  	s2 =	sld [smem:$0x3F97];
	s0 =	simm.s32 @p1 $0x1  }
0x15: {  	[smem:$0x3FB4] =	sst s0;
	s0 =	simm.s32 @!p2 $0x0  }
0x16: {  	s3 =	sld [smem:$0x3FDB];
	s0 =	simm.s32 @p2 $0x1  }
0x17: {  	s4 =	simm.s32 $0x1BF5;
	[smem:$0x3FB6] =	sst s0  }
0x18: {  	s0 =	sld [smem:$0x3F99];
	_ =	swait.ge [sflag:s4], $0x0  }
0x19: {  	s7 =	sld [smem:$0x3F9A]  }
0x1a: {  	s8 =	sadd.s32 $0xFFFFE003, lr  }
0x1b: {  	s9 =	sadd.s32 $0xFFFFFEF7, lr;
	s5 =	simm.s32 $0xFFFFFFFF;
	p2 =	slt.u32 s8, $0xFFFFF086  }
0x1c: {  	p1 =	slt.u32 s9, $0xF7A;
	s5 =	simm.s32 @!p2 $0x0  }
0x1d: {  	s5 =	simm.s32 @p1 $0x1;
	p0 =	seq.s32 s7, s2  }
0x1e: {  	s7 =	smul.u32 @!p0 $0xF7A, s2;
	p2 =	seq.s32 @!p0 s5, $0x0  }
0x1f: {  	s9 =	smul.u32 $0xF7A, s1;
	s8 =	simm.s32 @!p0 $0x1BF5;
	p2 =	por !p2, p0  }
0x20: {  	[sflag:s8] =	ssyncset.s32 @!p0 $0xFFFFF086;
	s6 =	sadd.s32 @!p0 s3, s7;
	s7 =	simm.s32 @!p0 $0x108  }
0x21: {  	s3 =	sadd.s32 s3, s9;
	s6 =	sadd.s32 @!p0 $0x88, s6;
	s7 =	simm.s32 @p2 $0x1082  }
0x22: {  	[simem:s7], [sflag:s8] =	dma.local @!p0 [hbm:s6], $0xF7A  }
0x23: {  	s9 =	sor.u32 $0xD0000000, s2;
	s6 =	simm.s32 $0x108;
	_ =	swait.ge @!p0 [sflag:s8], $0x0  }
0x24: {  	s3 =	sadd.s32 $0x88, s3;
	s6 =	simm.s32 @!p1 $0x1082;
	[sflag:s4] =	ssyncset.s32 $0xFFFFF086  }
0x25: {  	[simem:s6], [sflag:s4] =	dma.local [hbm:s3], $0xF7A  }
0x26: {  	[smem:$0x3F9A] =	sst s1;
	(tag) =	ssettag s2;
	_ =	strace s9  }
0x27: {  	s1 =	sld [smem:$0x3FAA]  }
0x28: {  	s2 =	sld [smem:$0x3FAB]  }
0x29: {  	s4 =	sld [smem:$0x3FAD]  }
0x2a: {  	p0 =	seq.s32 s5, $0x0;
	s5 =	sld [smem:$0x3FAE]  }
0x2b: {  	s6 =	sld [smem:$0x3FAF]  }
0x2c: {  	s7 =	sld [smem:$0x3FB0]  }
0x2d: {  	s3 =	simm.s32 $0x108;
	s8 =	sld [smem:$0x3FB1]  }
0x2e: {  	s3 =	simm.s32 @!p0 $0x1082;
	s9 =	sld [smem:$0x3FB2]  }
0x2f: {  	lr =	sadd.s32 s0, s3;
	s0 =	sld [smem:$0x3FA9]  }
0x30: {  	s3 =	sld [smem:$0x3FAC]  }
0x31: {  	[smem:$0x3FB5] =	sst s10  }
0x32: {  	s10 =	sld [smem:$0x3FB3];
	_ =	sdelay $0x3  }
0x33: {  	p0 =	seq.s32 s10, $0x1;
	s10 =	sld [smem:$0x3FB5];
	_ =	sdelay $0x3  }
0x34: {  	[smem:$0x3FB5] =	sst s10  }
0x35: {  	s10 =	sld [smem:$0x3FB4];
	_ =	sdelay $0x3  }
0x36: {  	p1 =	seq.s32 s10, $0x1;
	s10 =	sld [smem:$0x3FB5];
	_ =	sdelay $0x3  }
0x37: {  	[smem:$0x3FB5] =	sst s10  }
0x38: {  	s10 =	sld [smem:$0x3FB6]  }
0x39: {  	_ = 	snop;
	(pc) =	sbr.ind lr, $3  }
0x3a: {  	_ = 	snop  }
0x3b: {  	_ = 	snop  }
0x3c: {  	p2 =	seq.s32 s10, $0x1;
	s10 =	sld [smem:$0x3FB5]  }
0x3d: {  	_ =	shalt  }
0x3e: {  	_ =	shalt  }
0x3f: {  	_ =	shalt  }
0x40: {  	_ =	shalt  }
0x41: {  	_ =	shalt  }
0x42: {  	_ =	shalt  }
0x43: {  	_ =	shalt  }
0x44: {  	_ =	shalt  }
0x45: {  	_ =	shalt  }
0x46: {  	_ =	shalt  }
0x47: {  	_ =	shalt  }
0x48: {  	_ =	shalt  }
0x49: {  	_ =	shalt  }
0x4a: {  	_ =	shalt  }
0x4b: {  	_ =	shalt  }
0x4c: {  	_ =	shalt  }
0x4d: {  	_ =	shalt  }
0x4e: {  	_ =	shalt  }
0x4f: {  	_ =	shalt  }
0x50: {  	_ =	shalt  }
0x51: {  	_ =	shalt  }
0x52: {  	_ =	shalt  }
0x53: {  	_ =	shalt  }
0x54: {  	_ =	shalt  }
0x55: {  	_ =	shalt  }
0x56: {  	_ =	shalt  }
0x57: {  	_ =	shalt  }
0x58: {  	_ =	shalt  }
0x59: {  	_ =	shalt  }
0x5a: {  	_ =	shalt  }
0x5b: {  	_ =	shalt  }
0x5c: {  	_ =	shalt  }
0x5d: {  	_ =	shalt  }
0x5e: {  	_ =	shalt  }
0x5f: {  	_ =	shalt  }
0x60: {  	_ =	shalt  }
0x61: {  	_ =	shalt  }
0x62: {  	_ =	shalt  }
0x63: {  	_ =	shalt  }
0x64: {  	_ =	shalt  }
0x65: {  	_ =	shalt  }
0x66: {  	_ =	shalt  }
0x67: {  	_ =	shalt  }
0x68: {  	_ =	shalt  }
0x69: {  	_ =	shalt  }
0x6a: {  	_ =	shalt  }
0x6b: {  	_ =	shalt  }
0x6c: {  	_ =	shalt  }
0x6d: {  	_ =	shalt  }
0x6e: {  	_ =	shalt  }
0x6f: {  	_ =	shalt  }
0x70: {  	_ =	shalt  }
0x71: {  	_ =	shalt  }
0x72: {  	_ =	shalt  }
0x73: {  	_ =	shalt  }
0x74: {  	_ =	shalt  }
0x75: {  	_ =	shalt  }
0x76: {  	_ =	shalt  }
0x77: {  	_ =	shalt  }
0x78: {  	_ =	shalt  }
0x79: {  	_ =	shalt  }
0x7a: {  	_ =	shalt  }
0x7b: {  	_ =	shalt  }
0x7c: {  	_ =	shalt  }
0x7d: {  	_ =	shalt  }
0x7e: {  	_ =	shalt  }
0x7f: {  	_ =	shalt  }
0x80: {  	_ =	shalt  }
0x81: {  	_ =	shalt  }
0x82: {  	_ =	shalt  }
0x83: {  	_ =	shalt  }
0x84: {  	_ =	shalt  }
0x85: {  	_ =	shalt  }
0x86: {  	_ =	shalt  }
0x87: {  	_ =	shalt  }
.Lfunc_end0:
.L_simem_size_0:
called_computation.1_lowered:
.L_overlay_start_0:
0x88: {  	s2 =	sld [smem:$0x3FD9]  }
0x89: {  	s3 =	sld [smem:$0x3FFE];
	_ =	sdelay $0x1  }
0x8a: {  	s1 =	srdreg.scid  }
0x8b: {  	s0 =	sand.u32 $0x1, s1  }
0x8c: {  	s16 =	sshll.u32 s0, $0xA;
	s2 =	sadd.s32 s3, s2  }
0x8d: {  	s2 =	sadd.s32 s2, s16  }
0x8e: {  	[smem:$0x3FC1] =	sst s2  }
0x8f: {  	_ = 	snop  }
0x90: {  	(tm) =	ssettm $0x1  }
0x91: {  	s17 =	sld [smem:$0x3FFB];
	_ =	sdelay $0x3  }
0x92: {  	_ =	strace s17  }
0x93: {  	s2 =	sld [smem:$0x3FFC];
	_ =	sdelay $0x3  }
0x94: {  	_ =	strace s2  }
0x95: {  	s2 =	sld [smem:$0x3FFD];
	_ =	sdelay $0x3  }
0x96: {  	_ =	strace s2  }
0x97: {  	_ =	strace $0x8FFFFFFF  }
0x98: {  	s18 =	sld [smem:$0x3FDB];
	_ =	sdelay $0x1  }
0x99: {  	s19 =	simm.s32 $_scs_section_size  }
0x9a: {  	s4 =	simm.s32 $_size__tile_overlayer_lowered;
	s5 =	simm.s32 $_tile_overlayer_lowered  }
0x9b: {  	s22 =	simm.s32 $0x1BFF;
	s21 =	sshll.u32 s5, $0x1;
	s2 =	sadd.s32 s19, s18  }
0x9c: {  	s6 =	simm.s32 $0x0;
	s20 =	sshll.u32 s4, $0x1;
	s4 =	sadd.s32 s21, s2  }
0x9d: {  	[timem:s6], [sflag:s22] =	dma.local [hbm:s4], s20  }
0x9e: {  	_ =	swait.ge [sflag:s22], s20  }
0x9f: {  	s3 =	ssub.s32 $0x0, s20;
	[sflag:s22] =	ssyncset.done $0x0  }
0xa0: {  	[sflag:s22] =	ssyncadd.s32 s3;
	_ =	sdelay $0x1  }
0xa1: {  	s23 =	simm.s32 $0x1B8B  }
0xa2: {  	_ =	swait.ge [sflag:s23], $0x1  }
0xa3: {  	[sflag:s23] =	ssyncset.done $0x0  }
0xa4: {  	s25 =	simm.s32 $0x1B8E;
	s24 =	sld [smem:$0x3FFE];
	[sflag:s23] =	ssyncadd.s32 $0xFFFFFFFF  }
0xa5: {  	s26 =	simm.s32 $execute0_lowered;
	[smem:$0x3FD2] =	sst s25  }
0xa6: {  	s4 =	sshll.u32 s26, $0x1;
	_ =	strace $0x80000049;
	[dreg:$0x1] =	wrdreg $0xFFFFFFFF  }
0xa7: {  	s28 =	simm.s32 $_size_execute0_lowered;
	s2 =	sadd.s32 s2, s4;
	[dreg:$0x0] =	wrdreg $0x0  }
0xa8: {  	s4 =	sshll.u32 s28, $0x1;
	[dreg:$0x2] =	wrdreg s2  }
0xa9: {  	[dreg:$0x3] =	wrdreg s4  }
0xaa: {  	[dreg:$0x4] =	wrdreg $0xC0  }
0xab: {  	_ =	task [dreg:s6], $0x5FFFF  }
0xac: {  	[dreg:$0x1] =	wrdreg $0xFFFFFFFF  }
0xad: {  	[dreg:$0x0] =	wrdreg $0x60  }
0xae: {  	[dreg:$0x2] =	wrdreg s24  }
0xaf: {  	[dreg:$0x3] =	wrdreg $0x90000  }
0xb0: {  	[dreg:$0x4] =	wrdreg $0x9  }
0xb1: {  	_ =	task.clear_ibuf [dreg:s6], $0x5FFFF;
	_ =	strace $0x90000049  }
0xb2: {  	s29 =	simm.s32 $0x9;
	_ =	strace $0x8000004B  }
0xb3: {  	_ =	swait.ge [sflag:s29], $0x1  }
0xb4: {  	[sflag:s29] =	ssyncadd.s32 $0xFFFFFFFF  }
0xb5: {  	_ =	strace $0x9000004B  }
0xb6: {  	_ =	sfence  }
0xb7: {  	s30 =	sld [smem:$0x0];
	_ =	sdelay $0x2  }
0xb8: {  	s31 =	sshll.u32 s1, $0xD;
	s1 =	sshrl.u32 s1, $0x2  }
0xb9: {  	s3 =	sand.u32 $0x4000, s31;
	s1 =	sadd.s32 s1, s30  }
0xba: {  	s0 =	sor.u32 s3, s0;
	s1 =	sshll.u32 s1, $0x11  }
0xbb: {  	s0 =	sor.u32 s1, s0  }
0xbc: {  	s0 =	sadd.s32 $0x8F2B, s0  }
0xbd: {  	[sflag:s0] =	ssyncadd.remote.s32 $0x1  }
0xbe: {  	_ =	sfence.sel $0xFFFF  }
0xbf: {  	[dreg:$0x0] =	wrdreg $0xFFFFFFFF;
	(pc) =	sbr.abs _section_cstart, $3  }
0xc0: {  	[dreg:$0x1] =	wrdreg $0xFFFFFFFF  }
0xc1: {  	_ =	task.clear_ibuf [dreg:s6], $0x2FFFF;
	_ =	strace $0x9FFFFFFF  }
0xc2: {  	(tm) =	ssettm $0x7FFFFFFF  }
0xc3: {  	_ =	shalt  }
tec
execute0_lowered:
.L_overlay_start_1:
0x0: {  	(tag) =	ssettag $0x1  }
0x1: {  	s5 =	rddreg [dreg:$0x0];
	s0 =	srdreg.scid  }
0x2: {  	s2 =	rddreg [dreg:$0x1];
	s1 =	stileid.u32;
	s3 =	simm.s32 $0x0  }
0x3: {  	s24 =	simm.s32 $0x2800;
	s25 =	simm.s32 $0x80;
	s7 =	smul.u32 $0x2800, s1  }
0x4: {  	s26 =	simm.s32 $0x1;
	s28 =	simm.s32 $0x0;
	s8 =	smul.u32 $0x50000, s1  }
0x5: {  	s6 =	sand.u32 $0x1, s0;
	[smem:$0x7FF] =	sst s3;
	s17 =	smul.u32 $0x14000, s1  }
0x6: {  	s21 =	sadd.s32 $0x66600, s5;
	s4 =	smul.u32 $0x28000, s6;
	s30 =	ssub.s32 $0x2, s6  }
0x7: {  	_ =	strace $0x8000004A;
	s18 =	smul.u32 $0x140000, s6;
	s9 =	sshrl.u32 s30, $0x1  }
0x8: {  	s8 =	sshrl.u32 s8, $0x2;
	s14 =	sadd.s32 $0x4000, s17;
	s19 =	sadd.s32 $0x8000, s17  }
0x9: {  	s20 =	sadd.s32 $0xC000, s17;
	s22 =	sadd.s32 $0x10000, s17;
	s7 =	sadd.s32 s7, s4  }
0xa: {  	s4 =	sadd.s32 $0xBC00, s5;
	s9 =	ssub.s32 s30, s9;
	s12 =	sadd.s32 s18, s17  }
0xb: {  	s15 =	sadd.s32 s18, s14;
	s14 =	sadd.s32 s14, s2;
	s16 =	sadd.s32 s19, s2  }
0xc: {  	s19 =	sadd.s32 s18, s19;
	s31 =	sadd.s32 s18, s20;
	s23 =	sadd.s32 s18, s22  }
0xd: {  	s18 =	sadd.s32 s20, s2;
	s20 =	sadd.s32 s22, s2;
	s22 =	simm.s32 $0x5000  }
0xe: {  	s7 =	sshrl.u32 s7, $0x3;
	s13 =	sshrl.u32 s12, $0x3;
	s15 =	sshrl.u32 s15, $0x3  }
0xf: {  	s19 =	sshrl.u32 s19, $0x3;
	s23 =	sshrl.u32 s23, $0x3;
	s7 =	sadd.s32 s7, s5  }
0x10: {  	s5 =	sadd.s32 s8, s2;
	s8 =	smax.u32 s9, $0x1;
	s13 =	sadd.s32 s21, s13  }
0x11: {  	s15 =	sadd.s32 s21, s15;
	s17 =	sadd.s32 s21, s19;
	s19 =	sshrl.u32 s31, $0x3  }
0x12: {  	s6 =	sadd.s32 $0x5C600, s7;
	s7 =	sadd.s32 $0x1C00, s7;
	s9 =	sadd.s32 $0x4000, s5  }
0x13: {  	s10 =	sadd.s32 $0x8000, s5;
	s11 =	sadd.s32 $0xC000, s5;
	s12 =	sadd.s32 $0x10000, s5  }
0x14: {  	v0 =	vimm.f32 $0.0e+00;
	s19 =	sadd.s32 s21, s19;
	s21 =	sadd.s32 s21, s23;
	s23 =	simm.s32 $0x2  }
.LBB2_1:
0x15: {  	s29 =	sand.u32 $0xFE00, s3  }
0x16: {  	s30 =	sand.u32 $0x70, s3;
	s31 =	sshrl.u32 s29, $0x2  }
0x17: {  	s29 =	simm.s32 $0x40;
	s31 =	sor.u32 s30, s31;
	s30 =	simm.s32 $0x0  }
.LBB2_2:
0x18: {  	p0 =	sne.s32 s29, $0xFFC0  }
0x19: {  	[tilespmem:s31+$0x5000] =	vst v0;
	s30 =	sadd.s32 $0x10, s30;
	s31 =	smov.u32 s29;
	s29 =	sadd.s32 $0x40, s29  }
.Ltmp0:
0x1a: {  	(pc) =	sbr.rel @p0 .LBB2_2-.Ltmp0, $4  }
0x1b: {  	_ = 	snop  }
0x1c: {  	s31 =	sand.u32 $0xFE00, s31  }
0x1d: {  	s0 =	sand.u32 $0x70, s30;
	s31 =	sshrl.u32 s31, $0x2  }
0x1e: {  	s31 =	sor.u32 s0, s31  }
0x1f: {  	[tilespmem:s31+$0x5000] =	vst v0  }
0x20: {  	[spmem:s5] =	stream.linear.scatter [tilespmem:s22], [sflag:$0x2], $0x4000, $0x38;
	[tilespmem:$0x1D000] =	vst v63  }
0x21: {  	_ =	swait.ge [sflag:s23], $0x4000  }
0x22: {  	[sflag:s23] =	ssyncset.done $0x0  }
0x23: {  	[sflag:s23] =	ssyncadd.s32 $0xFFFFC000  }
0x24: {  	[spmem:s9] =	stream.linear.scatter [tilespmem:s22], [sflag:$0x2], $0x4000, $0x38;
	[tilespmem:$0x1D000] =	vst v63  }
0x25: {  	_ =	swait.ge [sflag:s23], $0x4000  }
0x26: {  	[sflag:s23] =	ssyncset.done $0x0  }
0x27: {  	[sflag:s23] =	ssyncadd.s32 $0xFFFFC000  }
0x28: {  	[spmem:s10] =	stream.linear.scatter [tilespmem:s22], [sflag:$0x2], $0x4000, $0x38;
	[tilespmem:$0x1D000] =	vst v63  }
0x29: {  	_ =	swait.ge [sflag:s23], $0x4000  }
0x2a: {  	[sflag:s23] =	ssyncset.done $0x0  }
0x2b: {  	[sflag:s23] =	ssyncadd.s32 $0xFFFFC000  }
0x2c: {  	[spmem:s11] =	stream.linear.scatter [tilespmem:s22], [sflag:$0x2], $0x4000, $0x38;
	[tilespmem:$0x1D000] =	vst v63  }
0x2d: {  	_ =	swait.ge [sflag:s23], $0x4000  }
0x2e: {  	[sflag:s23] =	ssyncset.done $0x0  }
0x2f: {  	[sflag:s23] =	ssyncadd.s32 $0xFFFFC000  }
0x30: {  	[spmem:s12] =	stream.linear.scatter [tilespmem:s22], [sflag:$0x2], $0x4000, $0x38;
	[tilespmem:$0x1D000] =	vst v63  }
0x31: {  	_ =	swait.ge [sflag:s23], $0x4000  }
0x32: {  	[sflag:s23] =	ssyncset.done $0x0  }
0x33: {  	s0 =	simm.s32 $0x0;
	[sflag:s23] =	ssyncadd.s32 $0xFFFFC000  }
0x34: {  	[tilespmem:s0], [sflag:$0x2] =	stream.linear.gather [hbm4b:s6+s0], $0x2780, $0x38;
	[tilespmem:$0x1D000] =	vst v63  }
0x35: {  	_ =	swait.ge [sflag:s23], $0x2780  }
0x36: {  	[sflag:s23] =	ssyncset.done $0x0  }
0x37: {  	[sflag:s23] =	ssyncadd.s32 $0xFFFFD880  }
0x38: {  	[tilespmem:s24], [sflag:$0x2] =	stream.linear.gather [hbm4b:s7+s0], $0x2780, $0x38;
	[tilespmem:$0x1D000] =	vst v63  }
0x39: {  	_ =	swait.ge [sflag:s23], $0x2780  }
0x3a: {  	[sflag:s23] =	ssyncset.done $0x0  }
0x3b: {  	[sflag:s23] =	ssyncadd.s32 $0xFFFFD880  }
0x3c: {  	s31 =	simm.s32 $0x0;
	[bflag:$0x0] =	sbarrier.arrive $0xFFFF  }
0x3d: {  	[tilespmem:s22], [sflag:$0x1] =	stream.indirect.gather [hbm4b:s4+s25], $0x80, s31, s25, $0xb8;
	[tilespmem:$0x1D000] =	vst v63  }
0x3e: {  	_ =	swait.ge [sflag:s26], $0x4000  }
0x3f: {  	[sflag:s26] =	ssyncset.done $0x0  }
0x40: {  	s31 =	simm.s32 $0x2800;
	[sflag:s26] =	ssyncadd.s32 $0xFFFFC000  }
0x41: {  	[spmem:s2] =	stream.indirect.scatter.add.f32 [tilespmem:s22], [sflag:$0x2], $0x80, s31, s25, $0xb8;
	[tilespmem:$0x1D000] =	vst v63  }
0x42: {  	_ =	swait.ge [sflag:s23], $0x4000  }
0x43: {  	s29 =	simm.s32 $0x200;
	s30 =	simm.s32 $0x400;
	[sflag:s23] =	ssyncset.done $0x0  }
.LBB2_4:
0x44: {  	s0 =	sshra.s32 s29, $0x2  }
0x45: {  	[sflag:s23] =	ssyncadd.s32 $0xFFFFC000;
	s29 =	smov.u32 s30;
	s31 =	sadd.s32 $0x200, s30  }
0x46: {  	[tilespmem:s22], [sflag:$0x1] =	stream.indirect.gather [hbm4b:s4+s25], $0x80, s0, s25, $0xb8;
	[tilespmem:$0x1D000] =	vst v63  }
0x47: {  	p0 =	sne.s32 s30, $0x9C00;
	_ =	swait.ge [sflag:s26], $0x4000  }
.Ltmp1:
0x48: {  	[sflag:s26] =	ssyncset.done $0x0;
	(pc) =	sbr.rel @p0 .LBB2_4-.Ltmp1, $4  }
0x49: {  	s0 =	sadd.s32 $0x2800, s0;
	[sflag:s26] =	ssyncadd.s32 $0xFFFFC000  }
0x4a: {  	[spmem:s2] =	stream.indirect.scatter.add.f32 [tilespmem:s22], [sflag:$0x2], $0x80, s0, s25, $0xb8;
	[tilespmem:$0x1D000] =	vst v63  }
0x4b: {  	_ =	swait.ge [sflag:s23], $0x4000  }
0x4c: {  	s30 =	smov.u32 s31;
	[sflag:s23] =	ssyncset.done $0x0  }
0x4d: {  	s0 =	sshra.s32 s29, $0x2;
	[sflag:s23] =	ssyncadd.s32 $0xFFFFC000  }
0x4e: {  	[tilespmem:s22], [sflag:$0x1] =	stream.indirect.gather [hbm4b:s4+s25], $0x80, s0, s25, $0xb8;
	[tilespmem:$0x1D000] =	vst v63  }
0x4f: {  	_ =	swait.ge [sflag:s26], $0x4000  }
0x50: {  	[sflag:s26] =	ssyncset.done $0x0  }
0x51: {  	s0 =	sadd.s32 $0x2800, s0;
	[sflag:s26] =	ssyncadd.s32 $0xFFFFC000  }
0x52: {  	[spmem:s2] =	stream.indirect.scatter.add.f32 [tilespmem:s22], [sflag:$0x2], $0x80, s0, s25, $0xb8;
	[tilespmem:$0x1D000] =	vst v63  }
0x53: {  	_ =	swait.ge [sflag:s23], $0x4000  }
0x54: {  	[sflag:s23] =	ssyncset.done $0x0  }
0x55: {  	[sflag:s23] =	ssyncadd.s32 $0xFFFFC000  }
0x56: {  	[bflag:$0x0] =	sbarrier.arrive $0xFFFF  }
0x57: {  	[tilespmem:s22], [sflag:$0x2] =	stream.linear.gather [spmem:s5], $0x4000, $0x38;
	[tilespmem:$0x1D000] =	vst v63  }
0x58: {  	_ =	swait.ge [sflag:s23], $0x4000  }
0x59: {  	[sflag:s23] =	ssyncset.done $0x0  }
0x5a: {  	[sflag:s23] =	ssyncadd.s32 $0xFFFFC000  }
0x5b: {  	[hbm4b:s13+s3] =	stream.linear.scatter [tilespmem:s22], [sflag:$0x2], $0x4000, $0x38;
	[tilespmem:$0x1D000] =	vst v63  }
0x5c: {  	_ =	swait.ge [sflag:s23], $0x4000  }
0x5d: {  	[sflag:s23] =	ssyncset.done $0x0  }
0x5e: {  	[sflag:s23] =	ssyncadd.s32 $0xFFFFC000  }
0x5f: {  	[tilespmem:s22], [sflag:$0x2] =	stream.linear.gather [spmem:s14], $0x4000, $0x38;
	[tilespmem:$0x1D000] =	vst v63  }
0x60: {  	_ =	swait.ge [sflag:s23], $0x4000  }
0x61: {  	[sflag:s23] =	ssyncset.done $0x0  }
0x62: {  	[sflag:s23] =	ssyncadd.s32 $0xFFFFC000  }
0x63: {  	[hbm4b:s15+s3] =	stream.linear.scatter [tilespmem:s22], [sflag:$0x2], $0x4000, $0x38;
	[tilespmem:$0x1D000] =	vst v63  }
0x64: {  	_ =	swait.ge [sflag:s23], $0x4000  }
0x65: {  	[sflag:s23] =	ssyncset.done $0x0  }
0x66: {  	[sflag:s23] =	ssyncadd.s32 $0xFFFFC000  }
0x67: {  	[tilespmem:s22], [sflag:$0x2] =	stream.linear.gather [spmem:s16], $0x4000, $0x38;
	[tilespmem:$0x1D000] =	vst v63  }
0x68: {  	_ =	swait.ge [sflag:s23], $0x4000  }
0x69: {  	[sflag:s23] =	ssyncset.done $0x0  }
0x6a: {  	[sflag:s23] =	ssyncadd.s32 $0xFFFFC000  }
0x6b: {  	[hbm4b:s17+s3] =	stream.linear.scatter [tilespmem:s22], [sflag:$0x2], $0x4000, $0x38;
	[tilespmem:$0x1D000] =	vst v63  }
0x6c: {  	_ =	swait.ge [sflag:s23], $0x4000  }
0x6d: {  	[sflag:s23] =	ssyncset.done $0x0  }
0x6e: {  	[sflag:s23] =	ssyncadd.s32 $0xFFFFC000  }
0x6f: {  	[tilespmem:s22], [sflag:$0x2] =	stream.linear.gather [spmem:s18], $0x4000, $0x38;
	[tilespmem:$0x1D000] =	vst v63  }
0x70: {  	_ =	swait.ge [sflag:s23], $0x4000  }
0x71: {  	[sflag:s23] =	ssyncset.done $0x0  }
0x72: {  	[sflag:s23] =	ssyncadd.s32 $0xFFFFC000  }
0x73: {  	[hbm4b:s19+s3] =	stream.linear.scatter [tilespmem:s22], [sflag:$0x2], $0x4000, $0x38;
	[tilespmem:$0x1D000] =	vst v63  }
0x74: {  	_ =	swait.ge [sflag:s23], $0x4000  }
0x75: {  	[sflag:s23] =	ssyncset.done $0x0  }
0x76: {  	[sflag:s23] =	ssyncadd.s32 $0xFFFFC000  }
0x77: {  	[tilespmem:s22], [sflag:$0x2] =	stream.linear.gather [spmem:s20], $0x4000, $0x38;
	[tilespmem:$0x1D000] =	vst v63  }
0x78: {  	s28 =	sadd.s32 $0x1, s28;
	_ =	swait.ge [sflag:s23], $0x4000  }
0x79: {  	p0 =	sne.s32 s28, s8;
	[sflag:s23] =	ssyncset.done $0x0  }
.Ltmp2:
0x7a: {  	[sflag:s23] =	ssyncadd.s32 $0xFFFFC000;
	(pc) =	sbr.rel @p0 .LBB2_1-.Ltmp2, $4  }
0x7b: {  	[hbm4b:s21+s3] =	stream.linear.scatter [tilespmem:s22], [sflag:$0x2], $0x4000, $0x38;
	[tilespmem:$0x1D000] =	vst v63  }
0x7c: {  	_ =	swait.ge [sflag:s23], $0x4000  }
0x7d: {  	[sflag:s23] =	ssyncset.done $0x0  }
0x7e: {  	[sflag:s23] =	ssyncadd.s32 $0xFFFFC000  }
0x7f: {  	_ =	sfence.sel $0x180000  }
0x80: {  	[bflag:$0x0] =	sbarrier.arrive $0xFFFF  }
0x81: {  	_ =	strace $0x9000004A  }
0x82: {  	[bflag:$0x2] =	sbarrier.arrive $0xFFFF  }
0x83: {  	p0 =	sne.s32 s1, $0x0;
	s0 =	rddreg [dreg:$0x2]  }
0x84: {  	s0 =	sadd.s32 @!p0 $0x100000, s0  }
0x85: {  	[sflag:s0] =	ssyncadd.tile.s32 @!p0 $0x1;
	_ =	shalt  }
.Lfunc_end2:
_tile_overlayer_lowered:
.L_overlay_start_2:
0x86: {  	(tag) =	ssettag $0x2  }
0x87: {  	s0 =	rddreg [dreg:$0x0];
	s2 =	stileid.u32  }
0x88: {  	s1 =	rddreg [dreg:$0x1];
	p0 =	sne.s32 s2, $0x0  }
0x89: {  	s3 =	rddreg [dreg:$0x2];
	[bflag:$0x3] =	sbarrier.arrive $0xFFFF;
	s2 =	simm.s32 @!p0 $0x1C02  }
0x8a: {  	[timem:s3], [sflag:s2] =	dma.local @!p0 [hbm:s0], s1  }
0x8b: {  	s0 =	simm.s32 @!p0 $0x2  }
0x8c: {  	_ =	swait.ge @!p0 [sflag:s0], s1  }
0x8d: {  	s1 =	ssub.s32 @!p0 $0x0, s1;
	[sflag:s0] =	ssyncset.done @!p0 $0x0  }
0x8e: {  	[sflag:s0] =	ssyncadd.s32 @!p0 s1  }
0x8f: {  	[bflag:$0x3] =	sbarrier.arrive $0xFFFF  }
0x90: {  	_ =	shalt  }

// kernel: kernel.14.cloned.1.call-start
scs
__scs_entry_jumppad:
0x0: {  	(pc) =	sbr.rel $0x88, $3  }
0x1: {  	(tag) =	ssettag $0x0;
	lr =	simm.s32 $0x1  }
0x2: {  	[smem:$0x3F9A] =	sst lr;
	_ =	strace $0xD0000000  }
0x3: {  	_ = 	snop  }
0x4: {  	_ = 	snop  }
0x5: {  	_ = 	snop  }
0x6: {  	_ = 	snop  }
0x7: {  	_ = 	snop  }
__scs_overlays_trampoline_lowered:
0x8: {  	[smem:$0x3FA9] =	sst s0  }
0x9: {  	[smem:$0x3FAA] =	sst s1  }
0xa: {  	[smem:$0x3FAB] =	sst s2  }
0xb: {  	[smem:$0x3FAC] =	sst s3  }
0xc: {  	[smem:$0x3FAD] =	sst s4  }
0xd: {  	[smem:$0x3FAE] =	sst s5  }
0xe: {  	[smem:$0x3FAF] =	sst s6  }
0xf: {  	[smem:$0x3FB0] =	sst s7  }
0x10: {  	[smem:$0x3FB1] =	sst s8  }
0x11: {  	[smem:$0x3FB2] =	sst s9;
	s0 =	simm.s32 @!p0 $0x0  }
0x12: {  	s1 =	sld [smem:$0x3F98];
	s0 =	simm.s32 @p0 $0x1  }
0x13: {  	[smem:$0x3FB3] =	sst s0;
	s0 =	simm.s32 @!p1 $0x0  }
0x14: {  	s2 =	sld [smem:$0x3F97];
	s0 =	simm.s32 @p1 $0x1  }
0x15: {  	[smem:$0x3FB4] =	sst s0;
	s0 =	simm.s32 @!p2 $0x0  }
0x16: {  	s3 =	sld [smem:$0x3FDB];
	s0 =	simm.s32 @p2 $0x1  }
0x17: {  	s4 =	simm.s32 $0x1BF5;
	[smem:$0x3FB6] =	sst s0  }
0x18: {  	s0 =	sld [smem:$0x3F99];
	_ =	swait.ge [sflag:s4], $0x0  }
0x19: {  	s7 =	sld [smem:$0x3F9A]  }
0x1a: {  	s8 =	sadd.s32 $0xFFFFE003, lr  }
0x1b: {  	s9 =	sadd.s32 $0xFFFFFEF7, lr;
	s5 =	simm.s32 $0xFFFFFFFF;
	p2 =	slt.u32 s8, $0xFFFFF086  }
0x1c: {  	p1 =	slt.u32 s9, $0xF7A;
	s5 =	simm.s32 @!p2 $0x0  }
0x1d: {  	s5 =	simm.s32 @p1 $0x1;
	p0 =	seq.s32 s7, s2  }
0x1e: {  	s7 =	smul.u32 @!p0 $0xF7A, s2;
	p2 =	seq.s32 @!p0 s5, $0x0  }
0x1f: {  	s9 =	smul.u32 $0xF7A, s1;
	s8 =	simm.s32 @!p0 $0x1BF5;
	p2 =	por !p2, p0  }
0x20: {  	[sflag:s8] =	ssyncset.s32 @!p0 $0xFFFFF086;
	s6 =	sadd.s32 @!p0 s3, s7;
	s7 =	simm.s32 @!p0 $0x108  }
0x21: {  	s3 =	sadd.s32 s3, s9;
	s6 =	sadd.s32 @!p0 $0x88, s6;
	s7 =	simm.s32 @p2 $0x1082  }
0x22: {  	[simem:s7], [sflag:s8] =	dma.local @!p0 [hbm:s6], $0xF7A  }
0x23: {  	s9 =	sor.u32 $0xD0000000, s2;
	s6 =	simm.s32 $0x108;
	_ =	swait.ge @!p0 [sflag:s8], $0x0  }
0x24: {  	s3 =	sadd.s32 $0x88, s3;
	s6 =	simm.s32 @!p1 $0x1082;
	[sflag:s4] =	ssyncset.s32 $0xFFFFF086  }
0x25: {  	[simem:s6], [sflag:s4] =	dma.local [hbm:s3], $0xF7A  }
0x26: {  	[smem:$0x3F9A] =	sst s1;
	(tag) =	ssettag s2;
	_ =	strace s9  }
0x27: {  	s1 =	sld [smem:$0x3FAA]  }
0x28: {  	s2 =	sld [smem:$0x3FAB]  }
0x29: {  	s4 =	sld [smem:$0x3FAD]  }
0x2a: {  	p0 =	seq.s32 s5, $0x0;
	s5 =	sld [smem:$0x3FAE]  }
0x2b: {  	s6 =	sld [smem:$0x3FAF]  }
0x2c: {  	s7 =	sld [smem:$0x3FB0]  }
0x2d: {  	s3 =	simm.s32 $0x108;
	s8 =	sld [smem:$0x3FB1]  }
0x2e: {  	s3 =	simm.s32 @!p0 $0x1082;
	s9 =	sld [smem:$0x3FB2]  }
0x2f: {  	lr =	sadd.s32 s0, s3;
	s0 =	sld [smem:$0x3FA9]  }
0x30: {  	s3 =	sld [smem:$0x3FAC]  }
0x31: {  	[smem:$0x3FB5] =	sst s10  }
0x32: {  	s10 =	sld [smem:$0x3FB3];
	_ =	sdelay $0x3  }
0x33: {  	p0 =	seq.s32 s10, $0x1;
	s10 =	sld [smem:$0x3FB5];
	_ =	sdelay $0x3  }
0x34: {  	[smem:$0x3FB5] =	sst s10  }
0x35: {  	s10 =	sld [smem:$0x3FB4];
	_ =	sdelay $0x3  }
0x36: {  	p1 =	seq.s32 s10, $0x1;
	s10 =	sld [smem:$0x3FB5];
	_ =	sdelay $0x3  }
0x37: {  	[smem:$0x3FB5] =	sst s10  }
0x38: {  	s10 =	sld [smem:$0x3FB6]  }
0x39: {  	_ = 	snop;
	(pc) =	sbr.ind lr, $3  }
0x3a: {  	_ = 	snop  }
0x3b: {  	_ = 	snop  }
0x3c: {  	p2 =	seq.s32 s10, $0x1;
	s10 =	sld [smem:$0x3FB5]  }
0x3d: {  	_ =	shalt  }
0x3e: {  	_ =	shalt  }
0x3f: {  	_ =	shalt  }
0x40: {  	_ =	shalt  }
0x41: {  	_ =	shalt  }
0x42: {  	_ =	shalt  }
0x43: {  	_ =	shalt  }
0x44: {  	_ =	shalt  }
0x45: {  	_ =	shalt  }
0x46: {  	_ =	shalt  }
0x47: {  	_ =	shalt  }
0x48: {  	_ =	shalt  }
0x49: {  	_ =	shalt  }
0x4a: {  	_ =	shalt  }
0x4b: {  	_ =	shalt  }
0x4c: {  	_ =	shalt  }
0x4d: {  	_ =	shalt  }
0x4e: {  	_ =	shalt  }
0x4f: {  	_ =	shalt  }
0x50: {  	_ =	shalt  }
0x51: {  	_ =	shalt  }
0x52: {  	_ =	shalt  }
0x53: {  	_ =	shalt  }
0x54: {  	_ =	shalt  }
0x55: {  	_ =	shalt  }
0x56: {  	_ =	shalt  }
0x57: {  	_ =	shalt  }
0x58: {  	_ =	shalt  }
0x59: {  	_ =	shalt  }
0x5a: {  	_ =	shalt  }
0x5b: {  	_ =	shalt  }
0x5c: {  	_ =	shalt  }
0x5d: {  	_ =	shalt  }
0x5e: {  	_ =	shalt  }
0x5f: {  	_ =	shalt  }
0x60: {  	_ =	shalt  }
0x61: {  	_ =	shalt  }
0x62: {  	_ =	shalt  }
0x63: {  	_ =	shalt  }
0x64: {  	_ =	shalt  }
0x65: {  	_ =	shalt  }
0x66: {  	_ =	shalt  }
0x67: {  	_ =	shalt  }
0x68: {  	_ =	shalt  }
0x69: {  	_ =	shalt  }
0x6a: {  	_ =	shalt  }
0x6b: {  	_ =	shalt  }
0x6c: {  	_ =	shalt  }
0x6d: {  	_ =	shalt  }
0x6e: {  	_ =	shalt  }
0x6f: {  	_ =	shalt  }
0x70: {  	_ =	shalt  }
0x71: {  	_ =	shalt  }
0x72: {  	_ =	shalt  }
0x73: {  	_ =	shalt  }
0x74: {  	_ =	shalt  }
0x75: {  	_ =	shalt  }
0x76: {  	_ =	shalt  }
0x77: {  	_ =	shalt  }
0x78: {  	_ =	shalt  }
0x79: {  	_ =	shalt  }
0x7a: {  	_ =	shalt  }
0x7b: {  	_ =	shalt  }
0x7c: {  	_ =	shalt  }
0x7d: {  	_ =	shalt  }
0x7e: {  	_ =	shalt  }
0x7f: {  	_ =	shalt  }
0x80: {  	_ =	shalt  }
0x81: {  	_ =	shalt  }
0x82: {  	_ =	shalt  }
0x83: {  	_ =	shalt  }
0x84: {  	_ =	shalt  }
0x85: {  	_ =	shalt  }
0x86: {  	_ =	shalt  }
0x87: {  	_ =	shalt  }
.Lfunc_end0:
.L_simem_size_0:
called_computation.2_lowered:
.L_overlay_start_0:
0x88: {  	s2 =	sld [smem:$0x3FD9]  }
0x89: {  	s3 =	sld [smem:$0x3FFE];
	_ =	sdelay $0x1  }
0x8a: {  	s1 =	srdreg.scid  }
0x8b: {  	s0 =	sand.u32 $0x1, s1  }
0x8c: {  	s16 =	sshll.u32 s0, $0xA;
	s2 =	sadd.s32 s3, s2  }
0x8d: {  	s2 =	sadd.s32 s2, s16  }
0x8e: {  	[smem:$0x3FC1] =	sst s2  }
0x8f: {  	_ = 	snop  }
0x90: {  	(tm) =	ssettm $0x1  }
0x91: {  	s17 =	sld [smem:$0x3FFB];
	_ =	sdelay $0x3  }
0x92: {  	_ =	strace s17  }
0x93: {  	s2 =	sld [smem:$0x3FFC];
	_ =	sdelay $0x3  }
0x94: {  	_ =	strace s2  }
0x95: {  	s2 =	sld [smem:$0x3FFD];
	_ =	sdelay $0x3  }
0x96: {  	_ =	strace s2  }
0x97: {  	_ =	strace $0x8FFFFFFF  }
0x98: {  	s18 =	sld [smem:$0x3FDB];
	_ =	sdelay $0x1  }
0x99: {  	s19 =	simm.s32 $_scs_section_size  }
0x9a: {  	s4 =	simm.s32 $_size__tile_overlayer_lowered;
	s5 =	simm.s32 $_tile_overlayer_lowered  }
0x9b: {  	s22 =	simm.s32 $0x1BFF;
	s21 =	sshll.u32 s5, $0x1;
	s2 =	sadd.s32 s19, s18  }
0x9c: {  	s6 =	simm.s32 $0x0;
	s20 =	sshll.u32 s4, $0x1;
	s4 =	sadd.s32 s21, s2  }
0x9d: {  	[timem:s6], [sflag:s22] =	dma.local [hbm:s4], s20  }
0x9e: {  	_ =	swait.ge [sflag:s22], s20  }
0x9f: {  	s3 =	ssub.s32 $0x0, s20;
	[sflag:s22] =	ssyncset.done $0x0  }
0xa0: {  	[sflag:s22] =	ssyncadd.s32 s3;
	_ =	sdelay $0x1  }
0xa1: {  	s23 =	simm.s32 $0x1B8B  }
0xa2: {  	_ =	swait.ge [sflag:s23], $0x1  }
0xa3: {  	[sflag:s23] =	ssyncset.done $0x0  }
0xa4: {  	s25 =	simm.s32 $0x1B8E;
	s24 =	sld [smem:$0x3FFE];
	[sflag:s23] =	ssyncadd.s32 $0xFFFFFFFF  }
0xa5: {  	s26 =	simm.s32 $execute0_lowered;
	[smem:$0x3FD2] =	sst s25  }
0xa6: {  	s4 =	sshll.u32 s26, $0x1;
	_ =	strace $0x8000004C;
	[dreg:$0x1] =	wrdreg $0xFFFFFFFF  }
0xa7: {  	s28 =	simm.s32 $_size_execute0_lowered;
	s2 =	sadd.s32 s2, s4;
	[dreg:$0x0] =	wrdreg $0x0  }
0xa8: {  	s4 =	sshll.u32 s28, $0x1;
	[dreg:$0x2] =	wrdreg s2  }
0xa9: {  	[dreg:$0x3] =	wrdreg s4  }
0xaa: {  	[dreg:$0x4] =	wrdreg $0xC0  }
0xab: {  	_ =	task [dreg:s6], $0x5FFFF  }
0xac: {  	[dreg:$0x1] =	wrdreg $0xFFFFFFFF  }
0xad: {  	[dreg:$0x0] =	wrdreg $0x60  }
0xae: {  	[dreg:$0x2] =	wrdreg s24  }
0xaf: {  	[dreg:$0x3] =	wrdreg $0x90000  }
0xb0: {  	[dreg:$0x4] =	wrdreg $0x9  }
0xb1: {  	_ =	task.clear_ibuf [dreg:s6], $0x5FFFF;
	_ =	strace $0x9000004C  }
0xb2: {  	s29 =	simm.s32 $0x9;
	_ =	strace $0x8000004E  }
0xb3: {  	_ =	swait.ge [sflag:s29], $0x1  }
0xb4: {  	[sflag:s29] =	ssyncadd.s32 $0xFFFFFFFF  }
0xb5: {  	_ =	strace $0x9000004E  }
0xb6: {  	_ =	sfence  }
0xb7: {  	s30 =	sld [smem:$0x0];
	_ =	sdelay $0x2  }
0xb8: {  	s31 =	sshll.u32 s1, $0xD;
	s1 =	sshrl.u32 s1, $0x2  }
0xb9: {  	s3 =	sand.u32 $0x4000, s31;
	s1 =	sadd.s32 s1, s30  }
0xba: {  	s0 =	sor.u32 s3, s0;
	s1 =	sshll.u32 s1, $0x11  }
0xbb: {  	s0 =	sor.u32 s1, s0  }
0xbc: {  	s0 =	sadd.s32 $0x8F2B, s0  }
0xbd: {  	[sflag:s0] =	ssyncadd.remote.s32 $0x1  }
0xbe: {  	_ =	sfence.sel $0xFFFF  }
0xbf: {  	[dreg:$0x0] =	wrdreg $0xFFFFFFFF;
	(pc) =	sbr.abs _section_cstart, $3  }
0xc0: {  	[dreg:$0x1] =	wrdreg $0xFFFFFFFF  }
0xc1: {  	_ =	task.clear_ibuf [dreg:s6], $0x2FFFF;
	_ =	strace $0x9FFFFFFF  }
0xc2: {  	(tm) =	ssettm $0x7FFFFFFF  }
0xc3: {  	_ =	shalt  }
tec
execute0_lowered:
.L_overlay_start_1:
0x0: {  	(tag) =	ssettag $0x1  }
0x1: {  	s5 =	rddreg [dreg:$0x0];
	s0 =	srdreg.scid  }
0x2: {  	s2 =	rddreg [dreg:$0x1];
	s1 =	stileid.u32;
	s3 =	simm.s32 $0x0  }
0x3: {  	s24 =	simm.s32 $0x2800;
	s25 =	simm.s32 $0x80;
	s7 =	smul.u32 $0x2800, s1  }
0x4: {  	s26 =	simm.s32 $0x1;
	s28 =	simm.s32 $0x0;
	s8 =	smul.u32 $0x50000, s1  }
0x5: {  	s6 =	sand.u32 $0x1, s0;
	[smem:$0x7FF] =	sst s3;
	s17 =	smul.u32 $0x14000, s1  }
0x6: {  	s21 =	sadd.s32 $0x66600, s5;
	s4 =	smul.u32 $0x28000, s6;
	s30 =	ssub.s32 $0x2, s6  }
0x7: {  	_ =	strace $0x8000004D;
	s18 =	smul.u32 $0x140000, s6;
	s9 =	sshrl.u32 s30, $0x1  }
0x8: {  	s8 =	sshrl.u32 s8, $0x2;
	s14 =	sadd.s32 $0x4000, s17;
	s19 =	sadd.s32 $0x8000, s17  }
0x9: {  	s20 =	sadd.s32 $0xC000, s17;
	s22 =	sadd.s32 $0x10000, s17;
	s7 =	sadd.s32 s7, s4  }
0xa: {  	s4 =	sadd.s32 $0xBC00, s5;
	s9 =	ssub.s32 s30, s9;
	s12 =	sadd.s32 s18, s17  }
0xb: {  	s15 =	sadd.s32 s18, s14;
	s14 =	sadd.s32 s14, s2;
	s16 =	sadd.s32 s19, s2  }
0xc: {  	s19 =	sadd.s32 s18, s19;
	s31 =	sadd.s32 s18, s20;
	s23 =	sadd.s32 s18, s22  }
0xd: {  	s18 =	sadd.s32 s20, s2;
	s20 =	sadd.s32 s22, s2;
	s22 =	simm.s32 $0x5000  }
0xe: {  	s7 =	sshrl.u32 s7, $0x3;
	s13 =	sshrl.u32 s12, $0x3;
	s15 =	sshrl.u32 s15, $0x3  }
0xf: {  	s19 =	sshrl.u32 s19, $0x3;
	s23 =	sshrl.u32 s23, $0x3;
	s7 =	sadd.s32 s7, s5  }
0x10: {  	s5 =	sadd.s32 s8, s2;
	s8 =	smax.u32 s9, $0x1;
	s13 =	sadd.s32 s21, s13  }
0x11: {  	s15 =	sadd.s32 s21, s15;
	s17 =	sadd.s32 s21, s19;
	s19 =	sshrl.u32 s31, $0x3  }
0x12: {  	s6 =	sadd.s32 $0x5C600, s7;
	s7 =	sadd.s32 $0x1C00, s7;
	s9 =	sadd.s32 $0x4000, s5  }
0x13: {  	s10 =	sadd.s32 $0x8000, s5;
	s11 =	sadd.s32 $0xC000, s5;
	s12 =	sadd.s32 $0x10000, s5  }
0x14: {  	v0 =	vimm.f32 $0.0e+00;
	s19 =	sadd.s32 s21, s19;
	s21 =	sadd.s32 s21, s23;
	s23 =	simm.s32 $0x2  }
.LBB2_1:
0x15: {  	s29 =	sand.u32 $0xFE00, s3  }
0x16: {  	s30 =	sand.u32 $0x70, s3;
	s31 =	sshrl.u32 s29, $0x2  }
0x17: {  	s29 =	simm.s32 $0x40;
	s31 =	sor.u32 s30, s31;
	s30 =	simm.s32 $0x0  }
.LBB2_2:
0x18: {  	p0 =	sne.s32 s29, $0xFFC0  }
0x19: {  	[tilespmem:s31+$0x5000] =	vst v0;
	s30 =	sadd.s32 $0x10, s30;
	s31 =	smov.u32 s29;
	s29 =	sadd.s32 $0x40, s29  }
.Ltmp0:
0x1a: {  	(pc) =	sbr.rel @p0 .LBB2_2-.Ltmp0, $4  }
0x1b: {  	_ = 	snop  }
0x1c: {  	s31 =	sand.u32 $0xFE00, s31  }
0x1d: {  	s0 =	sand.u32 $0x70, s30;
	s31 =	sshrl.u32 s31, $0x2  }
0x1e: {  	s31 =	sor.u32 s0, s31  }
0x1f: {  	[tilespmem:s31+$0x5000] =	vst v0  }
0x20: {  	[spmem:s5] =	stream.linear.scatter [tilespmem:s22], [sflag:$0x2], $0x4000, $0x38;
	[tilespmem:$0x1D000] =	vst v63  }
0x21: {  	_ =	swait.ge [sflag:s23], $0x4000  }
0x22: {  	[sflag:s23] =	ssyncset.done $0x0  }
0x23: {  	[sflag:s23] =	ssyncadd.s32 $0xFFFFC000  }
0x24: {  	[spmem:s9] =	stream.linear.scatter [tilespmem:s22], [sflag:$0x2], $0x4000, $0x38;
	[tilespmem:$0x1D000] =	vst v63  }
0x25: {  	_ =	swait.ge [sflag:s23], $0x4000  }
0x26: {  	[sflag:s23] =	ssyncset.done $0x0  }
0x27: {  	[sflag:s23] =	ssyncadd.s32 $0xFFFFC000  }
0x28: {  	[spmem:s10] =	stream.linear.scatter [tilespmem:s22], [sflag:$0x2], $0x4000, $0x38;
	[tilespmem:$0x1D000] =	vst v63  }
0x29: {  	_ =	swait.ge [sflag:s23], $0x4000  }
0x2a: {  	[sflag:s23] =	ssyncset.done $0x0  }
0x2b: {  	[sflag:s23] =	ssyncadd.s32 $0xFFFFC000  }
0x2c: {  	[spmem:s11] =	stream.linear.scatter [tilespmem:s22], [sflag:$0x2], $0x4000, $0x38;
	[tilespmem:$0x1D000] =	vst v63  }
0x2d: {  	_ =	swait.ge [sflag:s23], $0x4000  }
0x2e: {  	[sflag:s23] =	ssyncset.done $0x0  }
0x2f: {  	[sflag:s23] =	ssyncadd.s32 $0xFFFFC000  }
0x30: {  	[spmem:s12] =	stream.linear.scatter [tilespmem:s22], [sflag:$0x2], $0x4000, $0x38;
	[tilespmem:$0x1D000] =	vst v63  }
0x31: {  	_ =	swait.ge [sflag:s23], $0x4000  }
0x32: {  	[sflag:s23] =	ssyncset.done $0x0  }
0x33: {  	s0 =	simm.s32 $0x0;
	[sflag:s23] =	ssyncadd.s32 $0xFFFFC000  }
0x34: {  	[tilespmem:s0], [sflag:$0x2] =	stream.linear.gather [hbm4b:s6+s0], $0x2780, $0x38;
	[tilespmem:$0x1D000] =	vst v63  }
0x35: {  	_ =	swait.ge [sflag:s23], $0x2780  }
0x36: {  	[sflag:s23] =	ssyncset.done $0x0  }
0x37: {  	[sflag:s23] =	ssyncadd.s32 $0xFFFFD880  }
0x38: {  	[tilespmem:s24], [sflag:$0x2] =	stream.linear.gather [hbm4b:s7+s0], $0x2780, $0x38;
	[tilespmem:$0x1D000] =	vst v63  }
0x39: {  	_ =	swait.ge [sflag:s23], $0x2780  }
0x3a: {  	[sflag:s23] =	ssyncset.done $0x0  }
0x3b: {  	[sflag:s23] =	ssyncadd.s32 $0xFFFFD880  }
0x3c: {  	s31 =	simm.s32 $0x0;
	[bflag:$0x0] =	sbarrier.arrive $0xFFFF  }
0x3d: {  	[tilespmem:s22], [sflag:$0x1] =	stream.indirect.gather [hbm4b:s4+s25], $0x80, s31, s25, $0xb8;
	[tilespmem:$0x1D000] =	vst v63  }
0x3e: {  	_ =	swait.ge [sflag:s26], $0x4000  }
0x3f: {  	[sflag:s26] =	ssyncset.done $0x0  }
0x40: {  	s31 =	simm.s32 $0x2800;
	[sflag:s26] =	ssyncadd.s32 $0xFFFFC000  }
0x41: {  	[spmem:s2] =	stream.indirect.scatter.add.f32 [tilespmem:s22], [sflag:$0x2], $0x80, s31, s25, $0xb8;
	[tilespmem:$0x1D000] =	vst v63  }
0x42: {  	_ =	swait.ge [sflag:s23], $0x4000  }
0x43: {  	s29 =	simm.s32 $0x200;
	s30 =	simm.s32 $0x400;
	[sflag:s23] =	ssyncset.done $0x0  }
.LBB2_4:
0x44: {  	s0 =	sshra.s32 s29, $0x2  }
0x45: {  	[sflag:s23] =	ssyncadd.s32 $0xFFFFC000;
	s29 =	smov.u32 s30;
	s31 =	sadd.s32 $0x200, s30  }
0x46: {  	[tilespmem:s22], [sflag:$0x1] =	stream.indirect.gather [hbm4b:s4+s25], $0x80, s0, s25, $0xb8;
	[tilespmem:$0x1D000] =	vst v63  }
0x47: {  	p0 =	sne.s32 s30, $0x9C00;
	_ =	swait.ge [sflag:s26], $0x4000  }
.Ltmp1:
0x48: {  	[sflag:s26] =	ssyncset.done $0x0;
	(pc) =	sbr.rel @p0 .LBB2_4-.Ltmp1, $4  }
0x49: {  	s0 =	sadd.s32 $0x2800, s0;
	[sflag:s26] =	ssyncadd.s32 $0xFFFFC000  }
0x4a: {  	[spmem:s2] =	stream.indirect.scatter.add.f32 [tilespmem:s22], [sflag:$0x2], $0x80, s0, s25, $0xb8;
	[tilespmem:$0x1D000] =	vst v63  }
0x4b: {  	_ =	swait.ge [sflag:s23], $0x4000  }
0x4c: {  	s30 =	smov.u32 s31;
	[sflag:s23] =	ssyncset.done $0x0  }
0x4d: {  	s0 =	sshra.s32 s29, $0x2;
	[sflag:s23] =	ssyncadd.s32 $0xFFFFC000  }
0x4e: {  	[tilespmem:s22], [sflag:$0x1] =	stream.indirect.gather [hbm4b:s4+s25], $0x80, s0, s25, $0xb8;
	[tilespmem:$0x1D000] =	vst v63  }
0x4f: {  	_ =	swait.ge [sflag:s26], $0x4000  }
0x50: {  	[sflag:s26] =	ssyncset.done $0x0  }
0x51: {  	s0 =	sadd.s32 $0x2800, s0;
	[sflag:s26] =	ssyncadd.s32 $0xFFFFC000  }
0x52: {  	[spmem:s2] =	stream.indirect.scatter.add.f32 [tilespmem:s22], [sflag:$0x2], $0x80, s0, s25, $0xb8;
	[tilespmem:$0x1D000] =	vst v63  }
0x53: {  	_ =	swait.ge [sflag:s23], $0x4000  }
0x54: {  	[sflag:s23] =	ssyncset.done $0x0  }
0x55: {  	[sflag:s23] =	ssyncadd.s32 $0xFFFFC000  }
0x56: {  	[bflag:$0x0] =	sbarrier.arrive $0xFFFF  }
0x57: {  	[tilespmem:s22], [sflag:$0x2] =	stream.linear.gather [spmem:s5], $0x4000, $0x38;
	[tilespmem:$0x1D000] =	vst v63  }
0x58: {  	_ =	swait.ge [sflag:s23], $0x4000  }
0x59: {  	[sflag:s23] =	ssyncset.done $0x0  }
0x5a: {  	[sflag:s23] =	ssyncadd.s32 $0xFFFFC000  }
0x5b: {  	[hbm4b:s13+s3] =	stream.linear.scatter [tilespmem:s22], [sflag:$0x2], $0x4000, $0x38;
	[tilespmem:$0x1D000] =	vst v63  }
0x5c: {  	_ =	swait.ge [sflag:s23], $0x4000  }
0x5d: {  	[sflag:s23] =	ssyncset.done $0x0  }
0x5e: {  	[sflag:s23] =	ssyncadd.s32 $0xFFFFC000  }
0x5f: {  	[tilespmem:s22], [sflag:$0x2] =	stream.linear.gather [spmem:s14], $0x4000, $0x38;
	[tilespmem:$0x1D000] =	vst v63  }
0x60: {  	_ =	swait.ge [sflag:s23], $0x4000  }
0x61: {  	[sflag:s23] =	ssyncset.done $0x0  }
0x62: {  	[sflag:s23] =	ssyncadd.s32 $0xFFFFC000  }
0x63: {  	[hbm4b:s15+s3] =	stream.linear.scatter [tilespmem:s22], [sflag:$0x2], $0x4000, $0x38;
	[tilespmem:$0x1D000] =	vst v63  }
0x64: {  	_ =	swait.ge [sflag:s23], $0x4000  }
0x65: {  	[sflag:s23] =	ssyncset.done $0x0  }
0x66: {  	[sflag:s23] =	ssyncadd.s32 $0xFFFFC000  }
0x67: {  	[tilespmem:s22], [sflag:$0x2] =	stream.linear.gather [spmem:s16], $0x4000, $0x38;
	[tilespmem:$0x1D000] =	vst v63  }
0x68: {  	_ =	swait.ge [sflag:s23], $0x4000  }
0x69: {  	[sflag:s23] =	ssyncset.done $0x0  }
0x6a: {  	[sflag:s23] =	ssyncadd.s32 $0xFFFFC000  }
0x6b: {  	[hbm4b:s17+s3] =	stream.linear.scatter [tilespmem:s22], [sflag:$0x2], $0x4000, $0x38;
	[tilespmem:$0x1D000] =	vst v63  }
0x6c: {  	_ =	swait.ge [sflag:s23], $0x4000  }
0x6d: {  	[sflag:s23] =	ssyncset.done $0x0  }
0x6e: {  	[sflag:s23] =	ssyncadd.s32 $0xFFFFC000  }
0x6f: {  	[tilespmem:s22], [sflag:$0x2] =	stream.linear.gather [spmem:s18], $0x4000, $0x38;
	[tilespmem:$0x1D000] =	vst v63  }
0x70: {  	_ =	swait.ge [sflag:s23], $0x4000  }
0x71: {  	[sflag:s23] =	ssyncset.done $0x0  }
0x72: {  	[sflag:s23] =	ssyncadd.s32 $0xFFFFC000  }
0x73: {  	[hbm4b:s19+s3] =	stream.linear.scatter [tilespmem:s22], [sflag:$0x2], $0x4000, $0x38;
	[tilespmem:$0x1D000] =	vst v63  }
0x74: {  	_ =	swait.ge [sflag:s23], $0x4000  }
0x75: {  	[sflag:s23] =	ssyncset.done $0x0  }
0x76: {  	[sflag:s23] =	ssyncadd.s32 $0xFFFFC000  }
0x77: {  	[tilespmem:s22], [sflag:$0x2] =	stream.linear.gather [spmem:s20], $0x4000, $0x38;
	[tilespmem:$0x1D000] =	vst v63  }
0x78: {  	s28 =	sadd.s32 $0x1, s28;
	_ =	swait.ge [sflag:s23], $0x4000  }
0x79: {  	p0 =	sne.s32 s28, s8;
	[sflag:s23] =	ssyncset.done $0x0  }
.Ltmp2:
0x7a: {  	[sflag:s23] =	ssyncadd.s32 $0xFFFFC000;
	(pc) =	sbr.rel @p0 .LBB2_1-.Ltmp2, $4  }
0x7b: {  	[hbm4b:s21+s3] =	stream.linear.scatter [tilespmem:s22], [sflag:$0x2], $0x4000, $0x38;
	[tilespmem:$0x1D000] =	vst v63  }
0x7c: {  	_ =	swait.ge [sflag:s23], $0x4000  }
0x7d: {  	[sflag:s23] =	ssyncset.done $0x0  }
0x7e: {  	[sflag:s23] =	ssyncadd.s32 $0xFFFFC000  }
0x7f: {  	_ =	sfence.sel $0x180000  }
0x80: {  	[bflag:$0x0] =	sbarrier.arrive $0xFFFF  }
0x81: {  	_ =	strace $0x9000004D  }
0x82: {  	[bflag:$0x2] =	sbarrier.arrive $0xFFFF  }
0x83: {  	p0 =	sne.s32 s1, $0x0;
	s0 =	rddreg [dreg:$0x2]  }
0x84: {  	s0 =	sadd.s32 @!p0 $0x100000, s0  }
0x85: {  	[sflag:s0] =	ssyncadd.tile.s32 @!p0 $0x1;
	_ =	shalt  }
.Lfunc_end2:
_tile_overlayer_lowered:
.L_overlay_start_2:
0x86: {  	(tag) =	ssettag $0x2  }
0x87: {  	s0 =	rddreg [dreg:$0x0];
	s2 =	stileid.u32  }
0x88: {  	s1 =	rddreg [dreg:$0x1];
	p0 =	sne.s32 s2, $0x0  }
0x89: {  	s3 =	rddreg [dreg:$0x2];
	[bflag:$0x3] =	sbarrier.arrive $0xFFFF;
	s2 =	simm.s32 @!p0 $0x1C02  }
0x8a: {  	[timem:s3], [sflag:s2] =	dma.local @!p0 [hbm:s0], s1  }
0x8b: {  	s0 =	simm.s32 @!p0 $0x2  }
0x8c: {  	_ =	swait.ge @!p0 [sflag:s0], s1  }
0x8d: {  	s1 =	ssub.s32 @!p0 $0x0, s1;
	[sflag:s0] =	ssyncset.done @!p0 $0x0  }
0x8e: {  	[sflag:s0] =	ssyncadd.s32 @!p0 s1  }
0x8f: {  	[bflag:$0x3] =	sbarrier.arrive $0xFFFF  }
0x90: {  	_ =	shalt  }

// kernel: kernel.8.cloned.1.call-start
scs
__scs_entry_jumppad:
0x0: {  	(pc) =	sbr.rel $0x88, $3  }
0x1: {  	(tag) =	ssettag $0x0;
	lr =	simm.s32 $0x1  }
0x2: {  	[smem:$0x3F9A] =	sst lr;
	_ =	strace $0xD0000000  }
0x3: {  	_ = 	snop  }
0x4: {  	_ = 	snop  }
0x5: {  	_ = 	snop  }
0x6: {  	_ = 	snop  }
0x7: {  	_ = 	snop  }
__scs_overlays_trampoline_lowered:
0x8: {  	[smem:$0x3FA9] =	sst s0  }
0x9: {  	[smem:$0x3FAA] =	sst s1  }
0xa: {  	[smem:$0x3FAB] =	sst s2  }
0xb: {  	[smem:$0x3FAC] =	sst s3  }
0xc: {  	[smem:$0x3FAD] =	sst s4  }
0xd: {  	[smem:$0x3FAE] =	sst s5  }
0xe: {  	[smem:$0x3FAF] =	sst s6  }
0xf: {  	[smem:$0x3FB0] =	sst s7  }
0x10: {  	[smem:$0x3FB1] =	sst s8  }
0x11: {  	[smem:$0x3FB2] =	sst s9;
	s0 =	simm.s32 @!p0 $0x0  }
0x12: {  	s1 =	sld [smem:$0x3F98];
	s0 =	simm.s32 @p0 $0x1  }
0x13: {  	[smem:$0x3FB3] =	sst s0;
	s0 =	simm.s32 @!p1 $0x0  }
0x14: {  	s2 =	sld [smem:$0x3F97];
	s0 =	simm.s32 @p1 $0x1  }
0x15: {  	[smem:$0x3FB4] =	sst s0;
	s0 =	simm.s32 @!p2 $0x0  }
0x16: {  	s3 =	sld [smem:$0x3FDB];
	s0 =	simm.s32 @p2 $0x1  }
0x17: {  	s4 =	simm.s32 $0x1BF5;
	[smem:$0x3FB6] =	sst s0  }
0x18: {  	s0 =	sld [smem:$0x3F99];
	_ =	swait.ge [sflag:s4], $0x0  }
0x19: {  	s7 =	sld [smem:$0x3F9A]  }
0x1a: {  	s8 =	sadd.s32 $0xFFFFE003, lr  }
0x1b: {  	s9 =	sadd.s32 $0xFFFFFEF7, lr;
	s5 =	simm.s32 $0xFFFFFFFF;
	p2 =	slt.u32 s8, $0xFFFFF086  }
0x1c: {  	p1 =	slt.u32 s9, $0xF7A;
	s5 =	simm.s32 @!p2 $0x0  }
0x1d: {  	s5 =	simm.s32 @p1 $0x1;
	p0 =	seq.s32 s7, s2  }
0x1e: {  	s7 =	smul.u32 @!p0 $0xF7A, s2;
	p2 =	seq.s32 @!p0 s5, $0x0  }
0x1f: {  	s9 =	smul.u32 $0xF7A, s1;
	s8 =	simm.s32 @!p0 $0x1BF5;
	p2 =	por !p2, p0  }
0x20: {  	[sflag:s8] =	ssyncset.s32 @!p0 $0xFFFFF086;
	s6 =	sadd.s32 @!p0 s3, s7;
	s7 =	simm.s32 @!p0 $0x108  }
0x21: {  	s3 =	sadd.s32 s3, s9;
	s6 =	sadd.s32 @!p0 $0x88, s6;
	s7 =	simm.s32 @p2 $0x1082  }
0x22: {  	[simem:s7], [sflag:s8] =	dma.local @!p0 [hbm:s6], $0xF7A  }
0x23: {  	s9 =	sor.u32 $0xD0000000, s2;
	s6 =	simm.s32 $0x108;
	_ =	swait.ge @!p0 [sflag:s8], $0x0  }
0x24: {  	s3 =	sadd.s32 $0x88, s3;
	s6 =	simm.s32 @!p1 $0x1082;
	[sflag:s4] =	ssyncset.s32 $0xFFFFF086  }
0x25: {  	[simem:s6], [sflag:s4] =	dma.local [hbm:s3], $0xF7A  }
0x26: {  	[smem:$0x3F9A] =	sst s1;
	(tag) =	ssettag s2;
	_ =	strace s9  }
0x27: {  	s1 =	sld [smem:$0x3FAA]  }
0x28: {  	s2 =	sld [smem:$0x3FAB]  }
0x29: {  	s4 =	sld [smem:$0x3FAD]  }
0x2a: {  	p0 =	seq.s32 s5, $0x0;
	s5 =	sld [smem:$0x3FAE]  }
0x2b: {  	s6 =	sld [smem:$0x3FAF]  }
0x2c: {  	s7 =	sld [smem:$0x3FB0]  }
0x2d: {  	s3 =	simm.s32 $0x108;
	s8 =	sld [smem:$0x3FB1]  }
0x2e: {  	s3 =	simm.s32 @!p0 $0x1082;
	s9 =	sld [smem:$0x3FB2]  }
0x2f: {  	lr =	sadd.s32 s0, s3;
	s0 =	sld [smem:$0x3FA9]  }
0x30: {  	s3 =	sld [smem:$0x3FAC]  }
0x31: {  	[smem:$0x3FB5] =	sst s10  }
0x32: {  	s10 =	sld [smem:$0x3FB3];
	_ =	sdelay $0x3  }
0x33: {  	p0 =	seq.s32 s10, $0x1;
	s10 =	sld [smem:$0x3FB5];
	_ =	sdelay $0x3  }
0x34: {  	[smem:$0x3FB5] =	sst s10  }
0x35: {  	s10 =	sld [smem:$0x3FB4];
	_ =	sdelay $0x3  }
0x36: {  	p1 =	seq.s32 s10, $0x1;
	s10 =	sld [smem:$0x3FB5];
	_ =	sdelay $0x3  }
0x37: {  	[smem:$0x3FB5] =	sst s10  }
0x38: {  	s10 =	sld [smem:$0x3FB6]  }
0x39: {  	_ = 	snop;
	(pc) =	sbr.ind lr, $3  }
0x3a: {  	_ = 	snop  }
0x3b: {  	_ = 	snop  }
0x3c: {  	p2 =	seq.s32 s10, $0x1;
	s10 =	sld [smem:$0x3FB5]  }
0x3d: {  	_ =	shalt  }
0x3e: {  	_ =	shalt  }
0x3f: {  	_ =	shalt  }
0x40: {  	_ =	shalt  }
0x41: {  	_ =	shalt  }
0x42: {  	_ =	shalt  }
0x43: {  	_ =	shalt  }
0x44: {  	_ =	shalt  }
0x45: {  	_ =	shalt  }
0x46: {  	_ =	shalt  }
0x47: {  	_ =	shalt  }
0x48: {  	_ =	shalt  }
0x49: {  	_ =	shalt  }
0x4a: {  	_ =	shalt  }
0x4b: {  	_ =	shalt  }
0x4c: {  	_ =	shalt  }
0x4d: {  	_ =	shalt  }
0x4e: {  	_ =	shalt  }
0x4f: {  	_ =	shalt  }
0x50: {  	_ =	shalt  }
0x51: {  	_ =	shalt  }
0x52: {  	_ =	shalt  }
0x53: {  	_ =	shalt  }
0x54: {  	_ =	shalt  }
0x55: {  	_ =	shalt  }
0x56: {  	_ =	shalt  }
0x57: {  	_ =	shalt  }
0x58: {  	_ =	shalt  }
0x59: {  	_ =	shalt  }
0x5a: {  	_ =	shalt  }
0x5b: {  	_ =	shalt  }
0x5c: {  	_ =	shalt  }
0x5d: {  	_ =	shalt  }
0x5e: {  	_ =	shalt  }
0x5f: {  	_ =	shalt  }
0x60: {  	_ =	shalt  }
0x61: {  	_ =	shalt  }
0x62: {  	_ =	shalt  }
0x63: {  	_ =	shalt  }
0x64: {  	_ =	shalt  }
0x65: {  	_ =	shalt  }
0x66: {  	_ =	shalt  }
0x67: {  	_ =	shalt  }
0x68: {  	_ =	shalt  }
0x69: {  	_ =	shalt  }
0x6a: {  	_ =	shalt  }
0x6b: {  	_ =	shalt  }
0x6c: {  	_ =	shalt  }
0x6d: {  	_ =	shalt  }
0x6e: {  	_ =	shalt  }
0x6f: {  	_ =	shalt  }
0x70: {  	_ =	shalt  }
0x71: {  	_ =	shalt  }
0x72: {  	_ =	shalt  }
0x73: {  	_ =	shalt  }
0x74: {  	_ =	shalt  }
0x75: {  	_ =	shalt  }
0x76: {  	_ =	shalt  }
0x77: {  	_ =	shalt  }
0x78: {  	_ =	shalt  }
0x79: {  	_ =	shalt  }
0x7a: {  	_ =	shalt  }
0x7b: {  	_ =	shalt  }
0x7c: {  	_ =	shalt  }
0x7d: {  	_ =	shalt  }
0x7e: {  	_ =	shalt  }
0x7f: {  	_ =	shalt  }
0x80: {  	_ =	shalt  }
0x81: {  	_ =	shalt  }
0x82: {  	_ =	shalt  }
0x83: {  	_ =	shalt  }
0x84: {  	_ =	shalt  }
0x85: {  	_ =	shalt  }
0x86: {  	_ =	shalt  }
0x87: {  	_ =	shalt  }
.Lfunc_end0:
.L_simem_size_0:
called_computation_lowered:
.L_overlay_start_0:
0x88: {  	s2 =	sld [smem:$0x3FD9]  }
0x89: {  	s3 =	sld [smem:$0x3FFE];
	_ =	sdelay $0x1  }
0x8a: {  	s1 =	srdreg.scid  }
0x8b: {  	s0 =	sand.u32 $0x1, s1  }
0x8c: {  	s17 =	sshll.u32 s0, $0xA;
	s2 =	sadd.s32 s3, s2  }
0x8d: {  	s2 =	sadd.s32 s2, s17  }
0x8e: {  	[smem:$0x3FC1] =	sst s2  }
0x8f: {  	_ = 	snop  }
0x90: {  	s2 =	sld [smem:$0x3FC7]  }
0x91: {  	s18 =	sld [smem:$0x3FD0];
	(tm) =	ssettm $0x1  }
0x92: {  	s4 =	sld [smem:$0x3FFB];
	_ =	sdelay $0x3  }
0x93: {  	_ =	strace s4  }
0x94: {  	s4 =	sld [smem:$0x3FFC];
	_ =	sdelay $0x3  }
0x95: {  	_ =	strace s4  }
0x96: {  	s4 =	sld [smem:$0x3FFD];
	_ =	sdelay $0x3  }
0x97: {  	_ =	strace s4  }
0x98: {  	_ =	strace $0x8FFFFFFF  }
0x99: {  	s19 =	sld [smem:$0x3FDB];
	_ =	sdelay $0x1  }
0x9a: {  	s5 =	simm.s32 $_scs_section_size  }
0x9b: {  	s6 =	simm.s32 $_size__tile_overlayer_lowered;
	s7 =	simm.s32 $_tile_overlayer_lowered  }
0x9c: {  	s22 =	simm.s32 $0x1BFF;
	s21 =	sshll.u32 s7, $0x1;
	s4 =	sadd.s32 s5, s19  }
0x9d: {  	s8 =	simm.s32 $0x0;
	s20 =	sshll.u32 s6, $0x1;
	s6 =	sadd.s32 s21, s4  }
0x9e: {  	[timem:s8], [sflag:s22] =	dma.local [hbm:s6], s20  }
0x9f: {  	_ =	swait.ge [sflag:s22], s20  }
0xa0: {  	s5 =	ssub.s32 $0x0, s20;
	[sflag:s22] =	ssyncset.done $0x0  }
0xa1: {  	[sflag:s22] =	ssyncadd.s32 s5;
	_ =	sdelay $0x1  }
0xa2: {  	s23 =	simm.s32 $0x1B8B  }
0xa3: {  	_ =	swait.ge [sflag:s23], $0x1  }
0xa4: {  	[sflag:s23] =	ssyncset.done $0x0  }
0xa5: {  	s25 =	simm.s32 $0x1B8E;
	s24 =	sld [smem:$0x3FFE];
	[sflag:s23] =	ssyncadd.s32 $0xFFFFFFFF  }
0xa6: {  	s26 =	simm.s32 $execute0_lowered;
	[smem:$0x3FD2] =	sst s25  }
0xa7: {  	s6 =	sshll.u32 s26, $0x1;
	_ =	strace $0x80000046;
	[dreg:$0x1] =	wrdreg $0xFFFFFFFF  }
0xa8: {  	s28 =	simm.s32 $_size_execute0_lowered;
	s4 =	sadd.s32 s4, s6;
	[dreg:$0x0] =	wrdreg $0x0  }
0xa9: {  	s6 =	sshll.u32 s28, $0x1;
	[dreg:$0x2] =	wrdreg s4  }
0xaa: {  	[dreg:$0x3] =	wrdreg s6  }
0xab: {  	[dreg:$0x4] =	wrdreg $0xC0  }
0xac: {  	_ =	task [dreg:s8], $0x5FFFF  }
0xad: {  	[dreg:$0x1] =	wrdreg $0xFFFFFFFF  }
0xae: {  	[dreg:$0x0] =	wrdreg $0x60  }
0xaf: {  	[dreg:$0x2] =	wrdreg s18  }
0xb0: {  	[dreg:$0x3] =	wrdreg s24  }
0xb1: {  	[dreg:$0x4] =	wrdreg s2  }
0xb2: {  	[dreg:$0x5] =	wrdreg $0x6F000  }
0xb3: {  	[dreg:$0x6] =	wrdreg $0x9  }
0xb4: {  	_ =	task.clear_ibuf [dreg:s8], $0x7FFFF;
	_ =	strace $0x90000046  }
0xb5: {  	s29 =	simm.s32 $0x9;
	_ =	strace $0x80000048  }
0xb6: {  	_ =	swait.ge [sflag:s29], $0x1  }
0xb7: {  	[sflag:s29] =	ssyncadd.s32 $0xFFFFFFFF  }
0xb8: {  	_ =	strace $0x90000048  }
0xb9: {  	_ =	sfence  }
0xba: {  	s30 =	sld [smem:$0x0];
	_ =	sdelay $0x2  }
0xbb: {  	s31 =	sshll.u32 s1, $0xD;
	s1 =	sshrl.u32 s1, $0x2  }
0xbc: {  	s3 =	sand.u32 $0x4000, s31;
	s1 =	sadd.s32 s1, s30  }
0xbd: {  	s0 =	sor.u32 s3, s0;
	s1 =	sshll.u32 s1, $0x11  }
0xbe: {  	s0 =	sor.u32 s1, s0  }
0xbf: {  	s0 =	sadd.s32 $0x8F2B, s0  }
0xc0: {  	[sflag:s0] =	ssyncadd.remote.s32 $0x1  }
0xc1: {  	_ =	sfence.sel $0xFFFF  }
0xc2: {  	[dreg:$0x0] =	wrdreg $0xFFFFFFFF;
	(pc) =	sbr.abs _section_cstart, $3  }
0xc3: {  	[dreg:$0x1] =	wrdreg $0xFFFFFFFF  }
0xc4: {  	_ =	task.clear_ibuf [dreg:s8], $0x2FFFF;
	_ =	strace $0x9FFFFFFF  }
0xc5: {  	(tm) =	ssettm $0x7FFFFFFF  }
tec
execute0_lowered:
.L_overlay_start_1:
0x0: {  	(tag) =	ssettag $0x1  }
0x1: {  	s5 =	rddreg [dreg:$0x0]  }
0x2: {  	s6 =	rddreg [dreg:$0x1]  }
0x3: {  	s2 =	rddreg [dreg:$0x2]  }
0x4: {  	s3 =	rddreg [dreg:$0x3]  }
0x5: {  	s0 =	srdreg.scid;
	s1 =	rddreg [dreg:$0x4];
	s4 =	simm.s32 $0x0  }
0x6: {  	s15 =	simm.s32 $0x6C80;
	s16 =	simm.s32 $0x2;
	s7 =	sand.u32 $0x1, s0  }
0x7: {  	s17 =	simm.s32 $0x80;
	s0 =	stileid.u32;
	s8 =	smul.u32 $0x28000, s7  }
0x8: {  	s18 =	simm.s32 $0x400;
	s19 =	simm.s32 $0x1;
	s9 =	smul.u32 $0x2800, s0  }
0x9: {  	s20 =	simm.s32 $0x100;
	s21 =	simm.s32 $0x180;
	s10 =	smul.u32 $0x140000, s7  }
0xa: {  	s22 =	simm.s32 $0x200;
	[smem:$0x7FF] =	sst s4;
	s11 =	smul.u32 $0x14000, s0  }
0xb: {  	_ =	strace $0x80000047;
	s24 =	smul.u32 $0x500, s0;
	s25 =	sshll.u32 s7, $0x7  }
0xc: {  	s28 =	ssub.s32 $0x2, s7;
	s12 =	smul.u32 $0xA00, s0;
	s30 =	sshll.u32 s0, $0x7  }
0xd: {  	s7 =	sshll.u32 s7, $0xB;
	s29 =	sshrl.u32 s28, $0x1;
	s8 =	sadd.s32 s9, s8  }
0xe: {  	s23 =	sadd.s32 s10, s11;
	s26 =	sor.u32 s25, s24;
	s10 =	ssub.s32 s28, s29  }
0xf: {  	s31 =	sshrl.u32 s12, $0x2;
	s24 =	simm.s32 $0x6C00;
	s25 =	simm.s32 $0x0  }
0x10: {  	s8 =	sshrl.u32 s8, $0x3;
	s9 =	sshrl.u32 s23, $0x3;
	s23 =	simm.s32 $0x4400  }
0x11: {  	s8 =	sadd.s32 s8, s6;
	s14 =	sadd.s32 s9, s6;
	s9 =	sshrl.u32 s26, $0x3  }
0x12: {  	s9 =	sadd.s32 s9, s6;
	s6 =	sadd.s32 s5, s30;
	s5 =	sadd.s32 s31, s3  }
0x13: {  	s11 =	sadd.s32 $0xCE00, s14;
	s12 =	sadd.s32 $0xD600, s14;
	s13 =	sadd.s32 $0xDE00, s14  }
0x14: {  	s6 =	sadd.s32 s7, s6;
	s7 =	sadd.s32 $0x1C00, s8;
	s8 =	sadd.s32 $0xBC00, s9  }
0x15: {  	v0 =	vimm.f32 $0.0e+00;
	v1 =	vimm.f32 $1.000000000e+00;
	s9 =	smax.u32 s10, $0x1;
	s10 =	sadd.s32 $0xC600, s14;
	s14 =	sadd.s32 $0xE600, s14  }
.LBB2_1:
0x16: {  	[tilespmem:$0x6C80] =	vst v0  }
0x17: {  	[tilespmem:$0x6C90] =	vst v0  }
0x18: {  	[tilespmem:$0x6CA0] =	vst v0  }
0x19: {  	[tilespmem:$0x6CB0] =	vst v0  }
0x1a: {  	[tilespmem:$0x6CC0] =	vst v0  }
0x1b: {  	[tilespmem:$0x6CD0] =	vst v0  }
0x1c: {  	[tilespmem:$0x6CE0] =	vst v0  }
0x1d: {  	[tilespmem:$0x6CF0] =	vst v0  }
0x1e: {  	[tilespmem:$0x6D00] =	vst v0  }
0x1f: {  	[tilespmem:$0x6D10] =	vst v0  }
0x20: {  	[tilespmem:$0x6D20] =	vst v0  }
0x21: {  	[tilespmem:$0x6D30] =	vst v0  }
0x22: {  	[tilespmem:$0x6D40] =	vst v0  }
0x23: {  	[tilespmem:$0x6D50] =	vst v0  }
0x24: {  	[tilespmem:$0x6D60] =	vst v0  }
0x25: {  	[tilespmem:$0x6D70] =	vst v0  }
0x26: {  	[tilespmem:$0x6D80] =	vst v0  }
0x27: {  	[tilespmem:$0x6D90] =	vst v0  }
0x28: {  	[tilespmem:$0x6DA0] =	vst v0  }
0x29: {  	[tilespmem:$0x6DB0] =	vst v0  }
0x2a: {  	[tilespmem:$0x6DC0] =	vst v0  }
0x2b: {  	[tilespmem:$0x6DD0] =	vst v0  }
0x2c: {  	[tilespmem:$0x6DE0] =	vst v0  }
0x2d: {  	[tilespmem:$0x6DF0] =	vst v0  }
0x2e: {  	[tilespmem:$0x6E00] =	vst v0  }
0x2f: {  	[tilespmem:$0x6E10] =	vst v0  }
0x30: {  	[tilespmem:$0x6E20] =	vst v0  }
0x31: {  	[tilespmem:$0x6E30] =	vst v0  }
0x32: {  	[tilespmem:$0x6E40] =	vst v0  }
0x33: {  	[tilespmem:$0x6E50] =	vst v0  }
0x34: {  	[tilespmem:$0x6E60] =	vst v0  }
0x35: {  	[tilespmem:$0x6E70] =	vst v0  }
0x36: {  	[tilespmem:$0x6E80] =	vst v0  }
0x37: {  	[tilespmem:$0x6E90] =	vst v0  }
0x38: {  	[tilespmem:$0x6EA0] =	vst v0  }
0x39: {  	[tilespmem:$0x6EB0] =	vst v0  }
0x3a: {  	[tilespmem:$0x6EC0] =	vst v0  }
0x3b: {  	[tilespmem:$0x6ED0] =	vst v0  }
0x3c: {  	[tilespmem:$0x6EE0] =	vst v0  }
0x3d: {  	[tilespmem:$0x6EF0] =	vst v0  }
0x3e: {  	[spmem:s5] =	stream.linear.scatter [tilespmem:s15], [sflag:$0x2], $0x280, $0x38;
	[tilespmem:$0x7180] =	vst v63  }
0x3f: {  	_ =	swait.ge [sflag:s16], $0x280  }
0x40: {  	[sflag:s16] =	ssyncset.done $0x0  }
0x41: {  	[sflag:s16] =	ssyncadd.s32 $0xFFFFFD80  }
0x42: {  	[tilespmem:s4], [sflag:$0x2] =	stream.linear.gather [hbm4b:s6+s4], $0x280, $0x38;
	[tilespmem:$0x7180] =	vst v63  }
0x43: {  	_ =	swait.ge [sflag:s16], $0x280  }
0x44: {  	[sflag:s16] =	ssyncset.done $0x0  }
0x45: {  	[sflag:s16] =	ssyncadd.s32 $0xFFFFFD80  }
0x46: {  	[tilespmem:s18], [sflag:$0x1] =	stream.indirect.gather [hbm4b:s2+s17], $0x80, s4, s17, $0xb8;
	[tilespmem:$0x7180] =	vst v63  }
0x47: {  	_ =	swait.ge [sflag:s19], $0x4000  }
0x48: {  	[sflag:s19] =	ssyncset.done $0x0  }
0x49: {  	[sflag:s19] =	ssyncadd.s32 $0xFFFFC000  }
0x4a: {  	[hbm4b:s10+s4] =	stream.linear.scatter [tilespmem:s18], [sflag:$0x2], $0x4000, $0x38;
	[tilespmem:$0x7180] =	vst v63  }
0x4b: {  	_ =	swait.ge [sflag:s16], $0x4000  }
0x4c: {  	[sflag:s16] =	ssyncset.done $0x0  }
0x4d: {  	[sflag:s16] =	ssyncadd.s32 $0xFFFFC000  }
0x4e: {  	[tilespmem:s18], [sflag:$0x1] =	stream.indirect.gather [hbm4b:s2+s17], $0x80, s17, s17, $0xb8;
	[tilespmem:$0x7180] =	vst v63  }
0x4f: {  	_ =	swait.ge [sflag:s19], $0x4000  }
0x50: {  	[sflag:s19] =	ssyncset.done $0x0  }
0x51: {  	[sflag:s19] =	ssyncadd.s32 $0xFFFFC000  }
0x52: {  	[hbm4b:s11+s4] =	stream.linear.scatter [tilespmem:s18], [sflag:$0x2], $0x4000, $0x38;
	[tilespmem:$0x7180] =	vst v63  }
0x53: {  	_ =	swait.ge [sflag:s16], $0x4000  }
0x54: {  	[sflag:s16] =	ssyncset.done $0x0  }
0x55: {  	[sflag:s16] =	ssyncadd.s32 $0xFFFFC000  }
0x56: {  	[tilespmem:s18], [sflag:$0x1] =	stream.indirect.gather [hbm4b:s2+s17], $0x80, s20, s17, $0xb8;
	[tilespmem:$0x7180] =	vst v63  }
0x57: {  	_ =	swait.ge [sflag:s19], $0x4000  }
0x58: {  	[sflag:s19] =	ssyncset.done $0x0  }
0x59: {  	[sflag:s19] =	ssyncadd.s32 $0xFFFFC000  }
0x5a: {  	[hbm4b:s12+s4] =	stream.linear.scatter [tilespmem:s18], [sflag:$0x2], $0x4000, $0x38;
	[tilespmem:$0x7180] =	vst v63  }
0x5b: {  	_ =	swait.ge [sflag:s16], $0x4000  }
0x5c: {  	[sflag:s16] =	ssyncset.done $0x0  }
0x5d: {  	[sflag:s16] =	ssyncadd.s32 $0xFFFFC000  }
0x5e: {  	[tilespmem:s18], [sflag:$0x1] =	stream.indirect.gather [hbm4b:s2+s17], $0x80, s21, s17, $0xb8;
	[tilespmem:$0x7180] =	vst v63  }
0x5f: {  	_ =	swait.ge [sflag:s19], $0x4000  }
0x60: {  	[sflag:s19] =	ssyncset.done $0x0  }
0x61: {  	[sflag:s19] =	ssyncadd.s32 $0xFFFFC000  }
0x62: {  	[hbm4b:s13+s4] =	stream.linear.scatter [tilespmem:s18], [sflag:$0x2], $0x4000, $0x38;
	[tilespmem:$0x7180] =	vst v63  }
0x63: {  	_ =	swait.ge [sflag:s16], $0x4000  }
0x64: {  	[sflag:s16] =	ssyncset.done $0x0  }
0x65: {  	[sflag:s16] =	ssyncadd.s32 $0xFFFFC000  }
0x66: {  	[tilespmem:s18], [sflag:$0x1] =	stream.indirect.gather [hbm4b:s2+s17], $0x80, s22, s17, $0xb8;
	[tilespmem:$0x7180] =	vst v63  }
0x67: {  	_ =	swait.ge [sflag:s19], $0x4000  }
0x68: {  	[sflag:s19] =	ssyncset.done $0x0  }
0x69: {  	[sflag:s19] =	ssyncadd.s32 $0xFFFFC000  }
0x6a: {  	[hbm4b:s14+s4] =	stream.linear.scatter [tilespmem:s18], [sflag:$0x2], $0x4000, $0x38;
	[tilespmem:$0x7180] =	vst v63  }
0x6b: {  	_ =	swait.ge [sflag:s16], $0x4000  }
0x6c: {  	[sflag:s16] =	ssyncset.done $0x0  }
0x6d: {  	[sflag:s16] =	ssyncadd.s32 $0xFFFFC000  }
0x6e: {  	[tilespmem:$0x6C00] =	vst v1  }
0x6f: {  	[tilespmem:$0x6C10] =	vst v1  }
0x70: {  	[tilespmem:$0x6C20] =	vst v1  }
0x71: {  	[tilespmem:$0x6C30] =	vst v1  }
0x72: {  	[tilespmem:$0x6C40] =	vst v1  }
0x73: {  	[tilespmem:$0x6C50] =	vst v1  }
0x74: {  	[tilespmem:$0x6C60] =	vst v1  }
0x75: {  	[tilespmem:$0x6C70] =	vst v1  }
0x76: {  	[tilespmem:s23], [sflag:$0x2] =	stream.linear.gather [hbm4b:s7+s4], $0x2780, $0x38;
	[tilespmem:$0x7180] =	vst v63  }
0x77: {  	_ =	swait.ge [sflag:s16], $0x2780  }
0x78: {  	[sflag:s16] =	ssyncset.done $0x0  }
0x79: {  	[sflag:s16] =	ssyncadd.s32 $0xFFFFD880  }
0x7a: {  	s26 =	simm.s32 $0x4400;
	[bflag:$0x0] =	sbarrier.arrive $0xFFFF  }
0x7b: {  	[spmem:s3] =	stream.indirect.scatter.add.f32 [tilespmem:s24], [sflag:$0x2], $0x1, s26, s17, $0xb8;
	[tilespmem:$0x7180] =	vst v63  }
0x7c: {  	s26 =	simm.s32 $0x200;
	_ =	swait.ge [sflag:s16], $0x80  }
.LBB2_2:
0x7d: {  	s28 =	sshra.s32 s26, $0x2;
	[sflag:s16] =	ssyncset.done $0x0;
	p0 =	sne.s32 s26, $0x9C00  }
.Ltmp0:
0x7e: {  	s28 =	sadd.s32 $0x4400, s28;
	[sflag:s16] =	ssyncadd.s32 $0xFFFFFF80;
	(pc) =	sbr.rel @p0 .LBB2_2-.Ltmp0, $3  }
0x7f: {  	[spmem:s3] =	stream.indirect.scatter.add.f32 [tilespmem:s24], [sflag:$0x2], $0x1, s28, s17, $0xb8;
	[tilespmem:$0x7180] =	vst v63  }
0x80: {  	s26 =	sadd.s32 $0x200, s26;
	_ =	sdelay $0x1  }
0x81: {  	_ =	swait.ge [sflag:s16], $0x80  }
0x82: {  	[sflag:s16] =	ssyncset.done $0x0  }
0x83: {  	[sflag:s16] =	ssyncadd.s32 $0xFFFFFF80  }
0x84: {  	[bflag:$0x0] =	sbarrier.arrive $0xFFFF  }
0x85: {  	[tilespmem:s15], [sflag:$0x2] =	stream.linear.gather [spmem:s5], $0x280, $0x38;
	[tilespmem:$0x7180] =	vst v63  }
0x86: {  	s25 =	sadd.s32 $0x1, s25;
	_ =	swait.ge [sflag:s16], $0x280  }
0x87: {  	p0 =	sne.s32 s25, s9;
	[sflag:s16] =	ssyncset.done $0x0  }
.Ltmp1:
0x88: {  	[sflag:s16] =	ssyncadd.s32 $0xFFFFFD80;
	(pc) =	sbr.rel @p0 .LBB2_1-.Ltmp1, $4  }
0x89: {  	[hbm4b:s8+s17] =	stream.strided.scatter [tilespmem:s15], [sflag:$0x2], $0x280, s20, s17, $0x38;
	[tilespmem:$0x7180] =	vst v63  }
0x8a: {  	_ =	swait.ge [sflag:s16], $0x280  }
0x8b: {  	[sflag:s16] =	ssyncset.done $0x0  }
0x8c: {  	[sflag:s16] =	ssyncadd.s32 $0xFFFFFD80  }
0x8d: {  	_ =	sfence.sel $0x180000  }
0x8e: {  	[bflag:$0x0] =	sbarrier.arrive $0xFFFF  }
0x8f: {  	p0 =	sne.s32 s0, $0x0;
	_ =	strace $0x90000047  }
0x90: {  	s0 =	sadd.s32 @!p0 $0x100000, s1;
	[bflag:$0x2] =	sbarrier.arrive $0xFFFF  }
0x91: {  	[sflag:s0] =	ssyncadd.tile.s32 @!p0 $0x1;
	_ =	shalt  }
.Lfunc_end2:
_tile_overlayer_lowered:
.L_overlay_start_2:
0x92: {  	(tag) =	ssettag $0x2  }
0x93: {  	s0 =	rddreg [dreg:$0x0];
	s2 =	stileid.u32  }
0x94: {  	s1 =	rddreg [dreg:$0x1];
	p0 =	sne.s32 s2, $0x0  }
0x95: {  	s3 =	rddreg [dreg:$0x2];
	[bflag:$0x3] =	sbarrier.arrive $0xFFFF;
	s2 =	simm.s32 @!p0 $0x1C02  }
0x96: {  	[timem:s3], [sflag:s2] =	dma.local @!p0 [hbm:s0], s1  }
0x97: {  	s0 =	simm.s32 @!p0 $0x2  }
0x98: {  	_ =	swait.ge @!p0 [sflag:s0], s1  }
0x99: {  	s1 =	ssub.s32 @!p0 $0x0, s1;
	[sflag:s0] =	ssyncset.done @!p0 $0x0  }
0x9a: {  	[sflag:s0] =	ssyncadd.s32 @!p0 s1  }
0x9b: {  	[bflag:$0x3] =	sbarrier.arrive $0xFFFF  }
0x9c: {  	_ =	shalt  }

</sc_bundles>
